<compile_context>
chip_gen: v7x
topology: tpu7x:2x2x1
jax: 0.10.2.dev20260603
libtpu: 0.0.44.dev20260713+nightly
codegen_flags: <defaults>
</compile_context>

<pallas_src>
import jax
import jax.numpy as jnp
from jax import lax
from jax.experimental import pallas as pl
from jax.experimental.pallas import tpu as pltpu
from jax.experimental.pallas import tpu_sc as plsc

_N = 10000
_E = 320000
_D = 128
_H = 128
_OUT = 128
_C = 10
_L = 5
_G = 64

_NC = 2
_NS = 16
_NW = _NC * _NS

_CHUNK = 128
_NCH = 79
_E_PAD = _NW * _NCH * _CHUNK
_ACC_ROWS = 10240
_ZROWS = _ACC_ROWS // _NS

_sc_mesh = plsc.VectorSubcoreMesh(
    core_axis_name="c", subcore_axis_name="s", num_cores=_NC, num_subcores=_NS
)


def _seg_sum_body(h_hbm, srcg_hbm, dstg_hbm, zeros_hbm, out_hbm,
                  src_v, dst_v, rows_v, acc_sh, sem):
    c = lax.axis_index("c")
    s = lax.axis_index("s")
    wid = c * _NS + s
    pltpu.sync_copy(zeros_hbm, acc_sh.at[pl.ds(s * _ZROWS, _ZROWS)])
    pltpu.sync_copy(srcg_hbm.at[wid], src_v)
    pltpu.sync_copy(dstg_hbm.at[wid], dst_v)
    plsc.subcore_barrier()

    @pl.loop(0, _NCH)
    def _(j):
        pltpu.async_copy(h_hbm.at[src_v.at[j]], rows_v, sem).wait()
        pltpu.sync_copy(rows_v, acc_sh.at[dst_v.at[j]], add=True)

    plsc.subcore_barrier()
    pltpu.sync_copy(
        acc_sh.at[pl.ds(s * _ZROWS, _ZROWS)],
        out_hbm.at[c, pl.ds(s * _ZROWS, _ZROWS)],
    )


_seg_sum = pl.kernel(
    _seg_sum_body,
    out_type=jax.ShapeDtypeStruct((_NC, _ACC_ROWS, _D), jnp.float32),
    mesh=_sc_mesh,
    scratch_types=[
        pltpu.VMEM((_NCH, _CHUNK), jnp.int32),
        pltpu.VMEM((_NCH, _CHUNK), jnp.int32),
        pltpu.VMEM((_CHUNK, _D), jnp.float32),
        pltpu.VMEM_SHARED((_ACC_ROWS, _D), jnp.float32),
        pltpu.SemaphoreType.DMA,
    ],
)

_RB = 1000
_PREC = lax.Precision.DEFAULT
_PREC_POOL = lax.Precision.HIGHEST


def _mlp_core(hm, w1_ref, b1_ref, w2_ref, b2_ref):
    t = jnp.dot(hm, w1_ref[...], preferred_element_type=jnp.float32,
                precision=_PREC)
    t = jnp.maximum(t + b1_ref[...], 0.0)
    t = jnp.dot(t, w2_ref[...], preferred_element_type=jnp.float32,
                precision=_PREC)
    return jnp.maximum(t + b2_ref[...], 0.0)


def _mlp_body(h_ref, p_ref, w1_ref, b1_ref, w2_ref, b2_ref, o_ref):
    hm = h_ref[...] + p_ref[0] + p_ref[1]
    o_ref[...] = _mlp_core(hm, w1_ref, b1_ref, w2_ref, b2_ref)


_mlp = pl.pallas_call(
    _mlp_body,
    grid=(_N // _RB,),
    in_specs=[
        pl.BlockSpec((_RB, _D), lambda i: (i, 0)),
        pl.BlockSpec((_NC, _RB, _D), lambda i: (0, i, 0)),
        pl.BlockSpec((_D, _H), lambda i: (0, 0)),
        pl.BlockSpec((1, _H), lambda i: (0, 0)),
        pl.BlockSpec((_H, _H), lambda i: (0, 0)),
        pl.BlockSpec((1, _H), lambda i: (0, 0)),
    ],
    out_specs=pl.BlockSpec((_RB, _D), lambda i: (i, 0)),
    out_shape=jax.ShapeDtypeStruct((_N, _D), jnp.float32),
)


def _final_body(h_ref, p_ref, w1_ref, b1_ref, w2_ref, b2_ref, oh_ref,
                pw_ref, pb_ref, cw_ref, cb_ref,
                z_ref, logits_ref, pool_acc, cnt_acc):
    i = pl.program_id(0)

    @pl.when(i == 0)
    def _():
        pool_acc[...] = jnp.zeros_like(pool_acc)
        cnt_acc[...] = jnp.zeros_like(cnt_acc)

    hm = h_ref[...] + p_ref[0] + p_ref[1]
    t = _mlp_core(hm, w1_ref, b1_ref, w2_ref, b2_ref)
    oh = oh_ref[...]
    pool_acc[...] += lax.dot_general(
        oh, t, (((0,), (0,)), ((), ())),
        preferred_element_type=jnp.float32, precision=_PREC_POOL)
    ones = jnp.ones((_RB, 1), jnp.float32)
    cnt_acc[...] += lax.dot_general(
        oh, ones, (((0,), (0,)), ((), ())),
        preferred_element_type=jnp.float32, precision=_PREC_POOL)

    @pl.when(i == pl.num_programs(0) - 1)
    def _():
        pooled = pool_acc[...] / jnp.maximum(cnt_acc[...], 1.0)
        z = jnp.dot(pooled, pw_ref[...], preferred_element_type=jnp.float32,
                    precision=_PREC) + pb_ref[...]
        logits = jnp.dot(z, cw_ref[...], preferred_element_type=jnp.float32,
                         precision=_PREC) + cb_ref[...]
        z_ref[...] = z
        logits_ref[...] = logits


_final = pl.pallas_call(
    _final_body,
    grid=(_N // _RB,),
    in_specs=[
        pl.BlockSpec((_RB, _D), lambda i: (i, 0)),
        pl.BlockSpec((_NC, _RB, _D), lambda i: (0, i, 0)),
        pl.BlockSpec((_D, _H), lambda i: (0, 0)),
        pl.BlockSpec((1, _H), lambda i: (0, 0)),
        pl.BlockSpec((_H, _H), lambda i: (0, 0)),
        pl.BlockSpec((1, _H), lambda i: (0, 0)),
        pl.BlockSpec((_RB, _G), lambda i: (i, 0)),
        pl.BlockSpec((_H, _OUT), lambda i: (0, 0)),
        pl.BlockSpec((1, _OUT), lambda i: (0, 0)),
        pl.BlockSpec((_OUT, _C), lambda i: (0, 0)),
        pl.BlockSpec((1, _C), lambda i: (0, 0)),
    ],
    out_specs=[
        pl.BlockSpec((_G, _OUT), lambda i: (0, 0)),
        pl.BlockSpec((_G, _C), lambda i: (0, 0)),
    ],
    out_shape=[
        jax.ShapeDtypeStruct((_G, _OUT), jnp.float32),
        jax.ShapeDtypeStruct((_G, _C), jnp.float32),
    ],
    scratch_shapes=[
        pltpu.VMEM((_G, _D), jnp.float32),
        pltpu.VMEM((_G, 1), jnp.float32),
    ],
)


@jax.jit
def kernel(x, edge_index, batch, W1, B1, W2, B2, proj_w, proj_b, cls_w, cls_b):
    src = edge_index[0]
    dst = edge_index[1]
    pad = _E_PAD - _E
    srcg = jnp.concatenate([src, jnp.zeros((pad,), jnp.int32)]).reshape(
        _NW, _NCH, _CHUNK)
    dstg = jnp.concatenate([dst, jnp.full((pad,), _N, jnp.int32)]).reshape(
        _NW, _NCH, _CHUNK)
    zeros = jnp.zeros((_ZROWS, _D), jnp.float32)
    onehot = (batch[:, None] == jnp.arange(_G, dtype=batch.dtype)[None, :]
              ).astype(jnp.float32)

    h = x
    for l in range(_L):
        parts = _seg_sum(h, srcg, dstg, zeros)
        b1 = B1[l].reshape(1, _H)
        b2 = B2[l].reshape(1, _H)
        if l < _L - 1:
            h = _mlp(h, parts, W1[l], b1, W2[l], b2)
        else:
            z, logits = _final(h, parts, W1[l], b1, W2[l], b2, onehot,
                               proj_w, proj_b.reshape(1, _OUT),
                               cls_w, cls_b.reshape(1, _C))
    return (logits, z)

# --- scband reference (transcript-rebuilt; emitter-appended) ---
"""Pipeline reference for scband-ginnet-38019050504878 (READ-ONLY COPY).

The authoritative reference and input builder live on the scoring server;
editing this copy changes nothing except your own understanding.
"""

import jax, jax.numpy as jnp
import numpy as np

N = 10000
E = 320000
D = 128
H = 128
OUT = 128
C = 10
L = 5
G = 64


def setup_inputs(seed: int = 0) -> dict:
    key = jax.random.key(seed)
    ks = jax.random.split(key, 8)
    x = jax.random.normal(ks[0], (N, D), dtype=jnp.float32)
    edge_index = jax.random.randint(ks[1], (2, E), 0, N, dtype=jnp.int32)
    batch = jnp.sort(jax.random.randint(ks[2], (N,), 0, G, dtype=jnp.int32))
    W1 = jax.random.normal(ks[3], (L, D, H), dtype=jnp.float32) * 0.05
    B1 = jnp.zeros((L, H), dtype=jnp.float32)
    W2 = jax.random.normal(ks[4], (L, H, H), dtype=jnp.float32) * 0.05
    B2 = jnp.zeros((L, H), dtype=jnp.float32)
    proj_w = jax.random.normal(ks[5], (H, OUT), dtype=jnp.float32) * 0.05
    proj_b = jnp.zeros((OUT,), dtype=jnp.float32)
    cls_w = jax.random.normal(ks[6], (OUT, C), dtype=jnp.float32) * 0.05
    cls_b = jnp.zeros((C,), dtype=jnp.float32)
    return {"x": x, "edge_index": edge_index, "batch": batch,
            "W1": W1, "B1": B1, "W2": W2, "B2": B2,
            "proj_w": proj_w, "proj_b": proj_b, "cls_w": cls_w, "cls_b": cls_b}


def reference(x, edge_index, batch, W1, B1, W2, B2, proj_w, proj_b, cls_w, cls_b):
    src = edge_index[0]
    dst = edge_index[1]
    h = x
    for l in range(L):
        # GINConv with eps=0: mlp((1+eps)*x + sum_{j in N(i)} x_j)
        msg = jax.ops.segment_sum(h[src], dst, num_segments=N)
        h2 = h + msg
        h2 = h2 @ W1[l] + B1[l]
        h2 = jax.nn.relu(h2)
        h2 = h2 @ W2[l] + B2[l]
        # outer F.relu in GINNet.forward
        h = jax.nn.relu(h2)
    # global_mean_pool over batch assignment
    sums = jax.ops.segment_sum(h, batch, num_segments=G)
    counts = jax.ops.segment_sum(jnp.ones((N, 1), dtype=h.dtype), batch, num_segments=G)
    pooled = sums / jnp.maximum(counts, 1.0)
    z = pooled @ proj_w + proj_b
    logits = z @ cls_w + cls_b
    return (logits, z)

if __name__ == "__main__":
    import jax
    _d = setup_inputs()
    print(jax.jit(kernel)(*tuple(_d.values())))

</pallas_src>

<mosaic_0001>
#map = affine_map<(d0, d1) -> (0, 0)>
#map1 = affine_map<(d0, d1) -> (0, 0, 0)>
module attributes {stable_mosaic.version = 14 : i64} {
  func.func @_seg_sum_body(%arg0: i32, %arg1: i32, %arg2: memref<10000x128xf32, #tpu.memory_space<hbm>>, %arg3: memref<32x79x128xi32, #tpu.memory_space<hbm>>, %arg4: memref<32x79x128xi32, #tpu.memory_space<hbm>>, %arg5: memref<640x128xf32, #tpu.memory_space<hbm>>, %arg6: memref<2x10240x128xf32, #tpu.memory_space<hbm>>, %arg7: memref<79x128xi32, #tpu.memory_space<vmem>>, %arg8: memref<79x128xi32, #tpu.memory_space<vmem>>, %arg9: memref<128x128xf32, #tpu.memory_space<vmem>>, %arg10: memref<10240x128xf32, #tpu.memory_space<vmem_shared>>, %arg11: memref<!tpu.dma_semaphore, #tpu.memory_space<semaphore_mem>>) attributes {dimension_semantics = [#tpu.dimension_semantics<core_parallel>, #tpu.dimension_semantics<subcore_parallel>], iteration_bounds = array<i64: 2, 16>, scalar_prefetch = 0 : i64, scratch_operands = 5 : i64, tpu.core_type = #tpu.core_type<sc_vector_subcore>, window_params = [{transform_indices = #map}, {transform_indices = #map1}, {transform_indices = #map1}, {transform_indices = #map}, {transform_indices = #map1}]} {
    %mul3A = arith.constant 16 : i32
    %mul3A_0 = arith.muli %arg0, %mul3A : i32
    %add3A = arith.addi %mul3A_0, %arg1 : i32
    %mul3A_1 = arith.constant 640 : i32
    %mul3A_2 = arith.muli %arg1, %mul3A_1 : i32
    "tpu.region"() ({
      %run_scoped3A = tpu.sem_alloc : memref<!tpu.dma_semaphore, #tpu.memory_space<semaphore_mem>>
      %dma_start3A = arith.constant 0 : i32
      %dma_start3A_12 = tpu.memref_slice %arg10[%mul3A_2, %dma_start3A] : memref<10240x128xf32, #tpu.memory_space<vmem_shared>> -> memref<640x128xf32, #tpu.memory_space<vmem_shared>>
      tpu.enqueue_dma source(%arg5 : memref<640x128xf32, #tpu.memory_space<hbm>>) target(%dma_start3A_12 : memref<640x128xf32, #tpu.memory_space<vmem_shared>>) target_semaphore(%run_scoped3A : memref<!tpu.dma_semaphore, #tpu.memory_space<semaphore_mem>>)
      %dma_wait3A = arith.constant 0 : i32
      %dma_wait3A_13 = tpu.memref_slice %arg10[%mul3A_2, %dma_wait3A] : memref<10240x128xf32, #tpu.memory_space<vmem_shared>> -> memref<640x128xf32, #tpu.memory_space<vmem_shared>>
      tpu.wait_dma2 semaphore(%run_scoped3A : memref<!tpu.dma_semaphore, #tpu.memory_space<semaphore_mem>>) src(%arg5 : memref<640x128xf32, #tpu.memory_space<hbm>>) dst(%dma_wait3A_13 : memref<640x128xf32, #tpu.memory_space<vmem_shared>>)
      tpu.yield
    }) : () -> ()
    "tpu.region"() ({
      %run_scoped3A = tpu.sem_alloc : memref<!tpu.dma_semaphore, #tpu.memory_space<semaphore_mem>>
      %dma_start3A = arith.constant 0 : i32
      %dma_start3A_12 = arith.constant 0 : i32
      %dma_start3A_13 = tpu.memref_slice %arg3[%add3A, %dma_start3A, %dma_start3A_12] : memref<32x79x128xi32, #tpu.memory_space<hbm>> -> memref<1x79x128xi32, #tpu.memory_space<hbm>>
      %dma_start3A_14 = tpu.memref_squeeze %dma_start3A_13 : memref<1x79x128xi32, #tpu.memory_space<hbm>> -> memref<79x128xi32, #tpu.memory_space<hbm>>
      %dma_start3A_15 = arith.constant 0 : i32
      %dma_start3A_16 = arith.constant 0 : i32
      %dma_start3A_17 = tpu.memref_slice %arg3[%add3A, %dma_start3A_15, %dma_start3A_16] : memref<32x79x128xi32, #tpu.memory_space<hbm>> -> memref<1x79x128xi32, #tpu.memory_space<hbm>>
      %dma_start3A_18 = tpu.memref_squeeze %dma_start3A_17 : memref<1x79x128xi32, #tpu.memory_space<hbm>> -> memref<79x128xi32, #tpu.memory_space<hbm>>
      tpu.enqueue_dma source(%dma_start3A_18 : memref<79x128xi32, #tpu.memory_space<hbm>>) target(%arg7 : memref<79x128xi32, #tpu.memory_space<vmem>>) target_semaphore(%run_scoped3A : memref<!tpu.dma_semaphore, #tpu.memory_space<semaphore_mem>>)
      %dma_wait3A = arith.constant 0 : i32
      %dma_wait3A_19 = arith.constant 0 : i32
      %dma_wait3A_20 = tpu.memref_slice %arg3[%add3A, %dma_wait3A, %dma_wait3A_19] : memref<32x79x128xi32, #tpu.memory_space<hbm>> -> memref<1x79x128xi32, #tpu.memory_space<hbm>>
      %dma_wait3A_21 = tpu.memref_squeeze %dma_wait3A_20 : memref<1x79x128xi32, #tpu.memory_space<hbm>> -> memref<79x128xi32, #tpu.memory_space<hbm>>
      %dma_wait3A_22 = arith.constant 0 : i32
      %dma_wait3A_23 = arith.constant 0 : i32
      %dma_wait3A_24 = tpu.memref_slice %arg3[%add3A, %dma_wait3A_22, %dma_wait3A_23] : memref<32x79x128xi32, #tpu.memory_space<hbm>> -> memref<1x79x128xi32, #tpu.memory_space<hbm>>
      %dma_wait3A_25 = tpu.memref_squeeze %dma_wait3A_24 : memref<1x79x128xi32, #tpu.memory_space<hbm>> -> memref<79x128xi32, #tpu.memory_space<hbm>>
      tpu.wait_dma2 semaphore(%run_scoped3A : memref<!tpu.dma_semaphore, #tpu.memory_space<semaphore_mem>>) src(%dma_wait3A_25 : memref<79x128xi32, #tpu.memory_space<hbm>>) dst(%arg7 : memref<79x128xi32, #tpu.memory_space<vmem>>)
      tpu.yield
    }) : () -> ()
    "tpu.region"() ({
      %run_scoped3A = tpu.sem_alloc : memref<!tpu.dma_semaphore, #tpu.memory_space<semaphore_mem>>
      %dma_start3A = arith.constant 0 : i32
      %dma_start3A_12 = arith.constant 0 : i32
      %dma_start3A_13 = tpu.memref_slice %arg4[%add3A, %dma_start3A, %dma_start3A_12] : memref<32x79x128xi32, #tpu.memory_space<hbm>> -> memref<1x79x128xi32, #tpu.memory_space<hbm>>
      %dma_start3A_14 = tpu.memref_squeeze %dma_start3A_13 : memref<1x79x128xi32, #tpu.memory_space<hbm>> -> memref<79x128xi32, #tpu.memory_space<hbm>>
      %dma_start3A_15 = arith.constant 0 : i32
      %dma_start3A_16 = arith.constant 0 : i32
      %dma_start3A_17 = tpu.memref_slice %arg4[%add3A, %dma_start3A_15, %dma_start3A_16] : memref<32x79x128xi32, #tpu.memory_space<hbm>> -> memref<1x79x128xi32, #tpu.memory_space<hbm>>
      %dma_start3A_18 = tpu.memref_squeeze %dma_start3A_17 : memref<1x79x128xi32, #tpu.memory_space<hbm>> -> memref<79x128xi32, #tpu.memory_space<hbm>>
      tpu.enqueue_dma source(%dma_start3A_18 : memref<79x128xi32, #tpu.memory_space<hbm>>) target(%arg8 : memref<79x128xi32, #tpu.memory_space<vmem>>) target_semaphore(%run_scoped3A : memref<!tpu.dma_semaphore, #tpu.memory_space<semaphore_mem>>)
      %dma_wait3A = arith.constant 0 : i32
      %dma_wait3A_19 = arith.constant 0 : i32
      %dma_wait3A_20 = tpu.memref_slice %arg4[%add3A, %dma_wait3A, %dma_wait3A_19] : memref<32x79x128xi32, #tpu.memory_space<hbm>> -> memref<1x79x128xi32, #tpu.memory_space<hbm>>
      %dma_wait3A_21 = tpu.memref_squeeze %dma_wait3A_20 : memref<1x79x128xi32, #tpu.memory_space<hbm>> -> memref<79x128xi32, #tpu.memory_space<hbm>>
      %dma_wait3A_22 = arith.constant 0 : i32
      %dma_wait3A_23 = arith.constant 0 : i32
      %dma_wait3A_24 = tpu.memref_slice %arg4[%add3A, %dma_wait3A_22, %dma_wait3A_23] : memref<32x79x128xi32, #tpu.memory_space<hbm>> -> memref<1x79x128xi32, #tpu.memory_space<hbm>>
      %dma_wait3A_25 = tpu.memref_squeeze %dma_wait3A_24 : memref<1x79x128xi32, #tpu.memory_space<hbm>> -> memref<79x128xi32, #tpu.memory_space<hbm>>
      tpu.wait_dma2 semaphore(%run_scoped3A : memref<!tpu.dma_semaphore, #tpu.memory_space<semaphore_mem>>) src(%dma_wait3A_25 : memref<79x128xi32, #tpu.memory_space<hbm>>) dst(%arg8 : memref<79x128xi32, #tpu.memory_space<vmem>>)
      tpu.yield
    }) : () -> ()
    %barrier3A = arith.constant 0 : index
    tpu.barrier barrier_id(%barrier3A)
    %scan3A = arith.constant 0 : i32
    %scan3A_3 = arith.constant 79 : i32
    %scan3A_4 = arith.addi %scan3A, %scan3A_3 : i32
    %scan3A_5 = arith.constant 1 : i32
    scf.for %scan3A_12 = %scan3A to %scan3A_4 step %scan3A_5  : i32 {
      %mul3A_13 = arith.constant 1 : i32
      %mul3A_14 = arith.muli %scan3A_12, %mul3A_13 : i32
      %add3A_15 = arith.constant 0 : i32
      %add3A_16 = arith.addi %add3A_15, %mul3A_14 : i32
      %dma_start3A = arith.constant 0 : i32
      %dma_start3A_17 = tpu.memref_slice %arg7[%add3A_16, %dma_start3A] : memref<79x128xi32, #tpu.memory_space<vmem>> -> memref<1x128xi32, #tpu.memory_space<vmem>>
      %dma_start3A_18 = tpu.memref_squeeze %dma_start3A_17 : memref<1x128xi32, #tpu.memory_space<vmem>> -> memref<128xi32, #tpu.memory_space<vmem>>
      %dma_start3A_19 = arith.constant 0 : i32
      %dma_start3A_20 = arith.constant 0 : i32
      %dma_start3A_21 = tpu.memref_slice %arg2[%dma_start3A_19, %dma_start3A_20] : memref<10000x128xf32, #tpu.memory_space<hbm>> -> memref<10000x128xf32, #tpu.memory_space<hbm>>
      tpu.enqueue_indirect_dma source(%dma_start3A_21 : memref<10000x128xf32, #tpu.memory_space<hbm>>) target(%arg9 : memref<128x128xf32, #tpu.memory_space<vmem>>) offsets(%dma_start3A_18 : memref<128xi32, #tpu.memory_space<vmem>>) semaphore(%arg11 : memref<!tpu.dma_semaphore, #tpu.memory_space<semaphore_mem>>)
      %dma_wait3A = arith.constant 0 : i32
      %dma_wait3A_22 = tpu.memref_slice %arg7[%add3A_16, %dma_wait3A] : memref<79x128xi32, #tpu.memory_space<vmem>> -> memref<1x128xi32, #tpu.memory_space<vmem>>
      %dma_wait3A_23 = tpu.memref_squeeze %dma_wait3A_22 : memref<1x128xi32, #tpu.memory_space<vmem>> -> memref<128xi32, #tpu.memory_space<vmem>>
      %dma_wait3A_24 = arith.constant 0 : i32
      %dma_wait3A_25 = arith.constant 0 : i32
      %dma_wait3A_26 = tpu.memref_slice %arg2[%dma_wait3A_24, %dma_wait3A_25] : memref<10000x128xf32, #tpu.memory_space<hbm>> -> memref<10000x128xf32, #tpu.memory_space<hbm>>
      tpu.wait_indirect_dma semaphore(%arg11 : memref<!tpu.dma_semaphore, #tpu.memory_space<semaphore_mem>>) src(%dma_wait3A_26 : memref<10000x128xf32, #tpu.memory_space<hbm>>) dst(%arg9 : memref<128x128xf32, #tpu.memory_space<vmem>>)
      "tpu.region"() ({
        %run_scoped3A = tpu.sem_alloc : memref<!tpu.dma_semaphore, #tpu.memory_space<semaphore_mem>>
        %dma_start3A_27 = arith.constant 0 : i32
        %dma_start3A_28 = tpu.memref_slice %arg8[%add3A_16, %dma_start3A_27] : memref<79x128xi32, #tpu.memory_space<vmem>> -> memref<1x128xi32, #tpu.memory_space<vmem>>
        %dma_start3A_29 = tpu.memref_squeeze %dma_start3A_28 : memref<1x128xi32, #tpu.memory_space<vmem>> -> memref<128xi32, #tpu.memory_space<vmem>>
        %dma_start3A_30 = arith.constant 0 : i32
        %dma_start3A_31 = arith.constant 0 : i32
        %dma_start3A_32 = tpu.memref_slice %arg10[%dma_start3A_30, %dma_start3A_31] : memref<10240x128xf32, #tpu.memory_space<vmem_shared>> -> memref<10240x128xf32, #tpu.memory_space<vmem_shared>>
        tpu.enqueue_indirect_dma source(%arg9 : memref<128x128xf32, #tpu.memory_space<vmem>>) target(%dma_start3A_32 : memref<10240x128xf32, #tpu.memory_space<vmem_shared>>) offsets(%dma_start3A_29 : memref<128xi32, #tpu.memory_space<vmem>>) semaphore(%run_scoped3A : memref<!tpu.dma_semaphore, #tpu.memory_space<semaphore_mem>>) {add = true}
        %dma_wait3A_33 = arith.constant 0 : i32
        %dma_wait3A_34 = tpu.memref_slice %arg8[%add3A_16, %dma_wait3A_33] : memref<79x128xi32, #tpu.memory_space<vmem>> -> memref<1x128xi32, #tpu.memory_space<vmem>>
        %dma_wait3A_35 = tpu.memref_squeeze %dma_wait3A_34 : memref<1x128xi32, #tpu.memory_space<vmem>> -> memref<128xi32, #tpu.memory_space<vmem>>
        %dma_wait3A_36 = arith.constant 0 : i32
        %dma_wait3A_37 = arith.constant 0 : i32
        %dma_wait3A_38 = tpu.memref_slice %arg10[%dma_wait3A_36, %dma_wait3A_37] : memref<10240x128xf32, #tpu.memory_space<vmem_shared>> -> memref<10240x128xf32, #tpu.memory_space<vmem_shared>>
        tpu.wait_indirect_dma semaphore(%run_scoped3A : memref<!tpu.dma_semaphore, #tpu.memory_space<semaphore_mem>>) src(%arg9 : memref<128x128xf32, #tpu.memory_space<vmem>>) dst(%dma_wait3A_38 : memref<10240x128xf32, #tpu.memory_space<vmem_shared>>)
        tpu.yield
      }) : () -> ()
    }
    %scan3A_6 = arith.constant 79 : i32
    %barrier3A_7 = arith.constant 0 : index
    tpu.barrier barrier_id(%barrier3A_7)
    %mul3A_8 = arith.constant 640 : i32
    %mul3A_9 = arith.muli %arg1, %mul3A_8 : i32
    %mul3A_10 = arith.constant 640 : i32
    %mul3A_11 = arith.muli %arg1, %mul3A_10 : i32
    "tpu.region"() ({
      %run_scoped3A = tpu.sem_alloc : memref<!tpu.dma_semaphore, #tpu.memory_space<semaphore_mem>>
      %dma_start3A = arith.constant 0 : i32
      %dma_start3A_12 = tpu.memref_slice %arg6[%arg0, %mul3A_11, %dma_start3A] : memref<2x10240x128xf32, #tpu.memory_space<hbm>> -> memref<1x640x128xf32, #tpu.memory_space<hbm>>
      %dma_start3A_13 = tpu.memref_squeeze %dma_start3A_12 : memref<1x640x128xf32, #tpu.memory_space<hbm>> -> memref<640x128xf32, #tpu.memory_space<hbm>>
      %dma_start3A_14 = arith.constant 0 : i32
      %dma_start3A_15 = tpu.memref_slice %arg10[%mul3A_9, %dma_start3A_14] : memref<10240x128xf32, #tpu.memory_space<vmem_shared>> -> memref<640x128xf32, #tpu.memory_space<vmem_shared>>
      tpu.enqueue_dma source(%dma_start3A_15 : memref<640x128xf32, #tpu.memory_space<vmem_shared>>) target(%dma_start3A_13 : memref<640x128xf32, #tpu.memory_space<hbm>>) target_semaphore(%run_scoped3A : memref<!tpu.dma_semaphore, #tpu.memory_space<semaphore_mem>>)
      %dma_wait3A = arith.constant 0 : i32
      %dma_wait3A_16 = tpu.memref_slice %arg6[%arg0, %mul3A_11, %dma_wait3A] : memref<2x10240x128xf32, #tpu.memory_space<hbm>> -> memref<1x640x128xf32, #tpu.memory_space<hbm>>
      %dma_wait3A_17 = tpu.memref_squeeze %dma_wait3A_16 : memref<1x640x128xf32, #tpu.memory_space<hbm>> -> memref<640x128xf32, #tpu.memory_space<hbm>>
      %dma_wait3A_18 = arith.constant 0 : i32
      %dma_wait3A_19 = tpu.memref_slice %arg10[%mul3A_9, %dma_wait3A_18] : memref<10240x128xf32, #tpu.memory_space<vmem_shared>> -> memref<640x128xf32, #tpu.memory_space<vmem_shared>>
      tpu.wait_dma2 semaphore(%run_scoped3A : memref<!tpu.dma_semaphore, #tpu.memory_space<semaphore_mem>>) src(%dma_wait3A_19 : memref<640x128xf32, #tpu.memory_space<vmem_shared>>) dst(%dma_wait3A_17 : memref<640x128xf32, #tpu.memory_space<hbm>>)
      tpu.yield
    }) : () -> ()
    return
  }
}

#map = affine_map<(d0, d1) -> (0, 0)>
#map1 = affine_map<(d0, d1) -> (0, 0, 0)>
module attributes {stable_mosaic.version = 14 : i64} {
  func.func @_seg_sum_body(%arg0: i32, %arg1: i32, %arg2: memref<10000x128xf32, #tpu.memory_space<hbm>>, %arg3: memref<32x79x128xi32, #tpu.memory_space<hbm>>, %arg4: memref<32x79x128xi32, #tpu.memory_space<hbm>>, %arg5: memref<640x128xf32, #tpu.memory_space<hbm>>, %arg6: memref<2x10240x128xf32, #tpu.memory_space<hbm>>, %arg7: memref<79x128xi32, #tpu.memory_space<vmem>>, %arg8: memref<79x128xi32, #tpu.memory_space<vmem>>, %arg9: memref<128x128xf32, #tpu.memory_space<vmem>>, %arg10: memref<10240x128xf32, #tpu.memory_space<vmem_shared>>, %arg11: memref<!tpu.dma_semaphore, #tpu.memory_space<semaphore_mem>>) attributes {dimension_semantics = [#tpu.dimension_semantics<core_parallel>, #tpu.dimension_semantics<subcore_parallel>], iteration_bounds = array<i64: 2, 16>, scalar_prefetch = 0 : i64, scratch_operands = 5 : i64, tpu.core_type = #tpu.core_type<sc_vector_subcore>, window_params = [{transform_indices = #map}, {transform_indices = #map1}, {transform_indices = #map1}, {transform_indices = #map}, {transform_indices = #map1}]} {
    %mul3A = arith.constant 16 : i32
    %mul3A_0 = arith.muli %arg0, %mul3A : i32
    %add3A = arith.addi %mul3A_0, %arg1 : i32
    %mul3A_1 = arith.constant 640 : i32
    %mul3A_2 = arith.muli %arg1, %mul3A_1 : i32
    "tpu.region"() ({
      %run_scoped3A = tpu.sem_alloc : memref<!tpu.dma_semaphore, #tpu.memory_space<semaphore_mem>>
      %dma_start3A = arith.constant 0 : i32
      %dma_start3A_12 = tpu.memref_slice %arg10[%mul3A_2, %dma_start3A] : memref<10240x128xf32, #tpu.memory_space<vmem_shared>> -> memref<640x128xf32, #tpu.memory_space<vmem_shared>>
      tpu.enqueue_dma source(%arg5 : memref<640x128xf32, #tpu.memory_space<hbm>>) target(%dma_start3A_12 : memref<640x128xf32, #tpu.memory_space<vmem_shared>>) target_semaphore(%run_scoped3A : memref<!tpu.dma_semaphore, #tpu.memory_space<semaphore_mem>>)
      %dma_wait3A = arith.constant 0 : i32
      %dma_wait3A_13 = tpu.memref_slice %arg10[%mul3A_2, %dma_wait3A] : memref<10240x128xf32, #tpu.memory_space<vmem_shared>> -> memref<640x128xf32, #tpu.memory_space<vmem_shared>>
      tpu.wait_dma2 semaphore(%run_scoped3A : memref<!tpu.dma_semaphore, #tpu.memory_space<semaphore_mem>>) src(%arg5 : memref<640x128xf32, #tpu.memory_space<hbm>>) dst(%dma_wait3A_13 : memref<640x128xf32, #tpu.memory_space<vmem_shared>>)
      tpu.yield
    }) : () -> ()
    "tpu.region"() ({
      %run_scoped3A = tpu.sem_alloc : memref<!tpu.dma_semaphore, #tpu.memory_space<semaphore_mem>>
      %dma_start3A = arith.constant 0 : i32
      %dma_start3A_12 = arith.constant 0 : i32
      %dma_start3A_13 = tpu.memref_slice %arg3[%add3A, %dma_start3A, %dma_start3A_12] : memref<32x79x128xi32, #tpu.memory_space<hbm>> -> memref<1x79x128xi32, #tpu.memory_space<hbm>>
      %dma_start3A_14 = tpu.memref_squeeze %dma_start3A_13 : memref<1x79x128xi32, #tpu.memory_space<hbm>> -> memref<79x128xi32, #tpu.memory_space<hbm>>
      %dma_start3A_15 = arith.constant 0 : i32
      %dma_start3A_16 = arith.constant 0 : i32
      %dma_start3A_17 = tpu.memref_slice %arg3[%add3A, %dma_start3A_15, %dma_start3A_16] : memref<32x79x128xi32, #tpu.memory_space<hbm>> -> memref<1x79x128xi32, #tpu.memory_space<hbm>>
      %dma_start3A_18 = tpu.memref_squeeze %dma_start3A_17 : memref<1x79x128xi32, #tpu.memory_space<hbm>> -> memref<79x128xi32, #tpu.memory_space<hbm>>
      tpu.enqueue_dma source(%dma_start3A_18 : memref<79x128xi32, #tpu.memory_space<hbm>>) target(%arg7 : memref<79x128xi32, #tpu.memory_space<vmem>>) target_semaphore(%run_scoped3A : memref<!tpu.dma_semaphore, #tpu.memory_space<semaphore_mem>>)
      %dma_wait3A = arith.constant 0 : i32
      %dma_wait3A_19 = arith.constant 0 : i32
      %dma_wait3A_20 = tpu.memref_slice %arg3[%add3A, %dma_wait3A, %dma_wait3A_19] : memref<32x79x128xi32, #tpu.memory_space<hbm>> -> memref<1x79x128xi32, #tpu.memory_space<hbm>>
      %dma_wait3A_21 = tpu.memref_squeeze %dma_wait3A_20 : memref<1x79x128xi32, #tpu.memory_space<hbm>> -> memref<79x128xi32, #tpu.memory_space<hbm>>
      %dma_wait3A_22 = arith.constant 0 : i32
      %dma_wait3A_23 = arith.constant 0 : i32
      %dma_wait3A_24 = tpu.memref_slice %arg3[%add3A, %dma_wait3A_22, %dma_wait3A_23] : memref<32x79x128xi32, #tpu.memory_space<hbm>> -> memref<1x79x128xi32, #tpu.memory_space<hbm>>
      %dma_wait3A_25 = tpu.memref_squeeze %dma_wait3A_24 : memref<1x79x128xi32, #tpu.memory_space<hbm>> -> memref<79x128xi32, #tpu.memory_space<hbm>>
      tpu.wait_dma2 semaphore(%run_scoped3A : memref<!tpu.dma_semaphore, #tpu.memory_space<semaphore_mem>>) src(%dma_wait3A_25 : memref<79x128xi32, #tpu.memory_space<hbm>>) dst(%arg7 : memref<79x128xi32, #tpu.memory_space<vmem>>)
      tpu.yield
    }) : () -> ()
    "tpu.region"() ({
      %run_scoped3A = tpu.sem_alloc : memref<!tpu.dma_semaphore, #tpu.memory_space<semaphore_mem>>
      %dma_start3A = arith.constant 0 : i32
      %dma_start3A_12 = arith.constant 0 : i32
      %dma_start3A_13 = tpu.memref_slice %arg4[%add3A, %dma_start3A, %dma_start3A_12] : memref<32x79x128xi32, #tpu.memory_space<hbm>> -> memref<1x79x128xi32, #tpu.memory_space<hbm>>
      %dma_start3A_14 = tpu.memref_squeeze %dma_start3A_13 : memref<1x79x128xi32, #tpu.memory_space<hbm>> -> memref<79x128xi32, #tpu.memory_space<hbm>>
      %dma_start3A_15 = arith.constant 0 : i32
      %dma_start3A_16 = arith.constant 0 : i32
      %dma_start3A_17 = tpu.memref_slice %arg4[%add3A, %dma_start3A_15, %dma_start3A_16] : memref<32x79x128xi32, #tpu.memory_space<hbm>> -> memref<1x79x128xi32, #tpu.memory_space<hbm>>
      %dma_start3A_18 = tpu.memref_squeeze %dma_start3A_17 : memref<1x79x128xi32, #tpu.memory_space<hbm>> -> memref<79x128xi32, #tpu.memory_space<hbm>>
      tpu.enqueue_dma source(%dma_start3A_18 : memref<79x128xi32, #tpu.memory_space<hbm>>) target(%arg8 : memref<79x128xi32, #tpu.memory_space<vmem>>) target_semaphore(%run_scoped3A : memref<!tpu.dma_semaphore, #tpu.memory_space<semaphore_mem>>)
      %dma_wait3A = arith.constant 0 : i32
      %dma_wait3A_19 = arith.constant 0 : i32
      %dma_wait3A_20 = tpu.memref_slice %arg4[%add3A, %dma_wait3A, %dma_wait3A_19] : memref<32x79x128xi32, #tpu.memory_space<hbm>> -> memref<1x79x128xi32, #tpu.memory_space<hbm>>
      %dma_wait3A_21 = tpu.memref_squeeze %dma_wait3A_20 : memref<1x79x128xi32, #tpu.memory_space<hbm>> -> memref<79x128xi32, #tpu.memory_space<hbm>>
      %dma_wait3A_22 = arith.constant 0 : i32
      %dma_wait3A_23 = arith.constant 0 : i32
      %dma_wait3A_24 = tpu.memref_slice %arg4[%add3A, %dma_wait3A_22, %dma_wait3A_23] : memref<32x79x128xi32, #tpu.memory_space<hbm>> -> memref<1x79x128xi32, #tpu.memory_space<hbm>>
      %dma_wait3A_25 = tpu.memref_squeeze %dma_wait3A_24 : memref<1x79x128xi32, #tpu.memory_space<hbm>> -> memref<79x128xi32, #tpu.memory_space<hbm>>
      tpu.wait_dma2 semaphore(%run_scoped3A : memref<!tpu.dma_semaphore, #tpu.memory_space<semaphore_mem>>) src(%dma_wait3A_25 : memref<79x128xi32, #tpu.memory_space<hbm>>) dst(%arg8 : memref<79x128xi32, #tpu.memory_space<vmem>>)
      tpu.yield
    }) : () -> ()
    %barrier3A = arith.constant 0 : index
    tpu.barrier barrier_id(%barrier3A)
    %scan3A = arith.constant 0 : i32
    %scan3A_3 = arith.constant 79 : i32
    %scan3A_4 = arith.addi %scan3A, %scan3A_3 : i32
    %scan3A_5 = arith.constant 1 : i32
    scf.for %scan3A_12 = %scan3A to %scan3A_4 step %scan3A_5  : i32 {
      %mul3A_13 = arith.constant 1 : i32
      %mul3A_14 = arith.muli %scan3A_12, %mul3A_13 : i32
      %add3A_15 = arith.constant 0 : i32
      %add3A_16 = arith.addi %add3A_15, %mul3A_14 : i32
      %dma_start3A = arith.constant 0 : i32
      %dma_start3A_17 = tpu.memref_slice %arg7[%add3A_16, %dma_start3A] : memref<79x128xi32, #tpu.memory_space<vmem>> -> memref<1x128xi32, #tpu.memory_space<vmem>>
      %dma_start3A_18 = tpu.memref_squeeze %dma_start3A_17 : memref<1x128xi32, #tpu.memory_space<vmem>> -> memref<128xi32, #tpu.memory_space<vmem>>
      %dma_start3A_19 = arith.constant 0 : i32
      %dma_start3A_20 = arith.constant 0 : i32
      %dma_start3A_21 = tpu.memref_slice %arg2[%dma_start3A_19, %dma_start3A_20] : memref<10000x128xf32, #tpu.memory_space<hbm>> -> memref<10000x128xf32, #tpu.memory_space<hbm>>
      tpu.enqueue_indirect_dma source(%dma_start3A_21 : memref<10000x128xf32, #tpu.memory_space<hbm>>) target(%arg9 : memref<128x128xf32, #tpu.memory_space<vmem>>) offsets(%dma_start3A_18 : memref<128xi32, #tpu.memory_space<vmem>>) semaphore(%arg11 : memref<!tpu.dma_semaphore, #tpu.memory_space<semaphore_mem>>)
      %dma_wait3A = arith.constant 0 : i32
      %dma_wait3A_22 = tpu.memref_slice %arg7[%add3A_16, %dma_wait3A] : memref<79x128xi32, #tpu.memory_space<vmem>> -> memref<1x128xi32, #tpu.memory_space<vmem>>
      %dma_wait3A_23 = tpu.memref_squeeze %dma_wait3A_22 : memref<1x128xi32, #tpu.memory_space<vmem>> -> memref<128xi32, #tpu.memory_space<vmem>>
      %dma_wait3A_24 = arith.constant 0 : i32
      %dma_wait3A_25 = arith.constant 0 : i32
      %dma_wait3A_26 = tpu.memref_slice %arg2[%dma_wait3A_24, %dma_wait3A_25] : memref<10000x128xf32, #tpu.memory_space<hbm>> -> memref<10000x128xf32, #tpu.memory_space<hbm>>
      tpu.wait_indirect_dma semaphore(%arg11 : memref<!tpu.dma_semaphore, #tpu.memory_space<semaphore_mem>>) src(%dma_wait3A_26 : memref<10000x128xf32, #tpu.memory_space<hbm>>) dst(%arg9 : memref<128x128xf32, #tpu.memory_space<vmem>>)
      "tpu.region"() ({
        %run_scoped3A = tpu.sem_alloc : memref<!tpu.dma_semaphore, #tpu.memory_space<semaphore_mem>>
        %dma_start3A_27 = arith.constant 0 : i32
        %dma_start3A_28 = tpu.memref_slice %arg8[%add3A_16, %dma_start3A_27] : memref<79x128xi32, #tpu.memory_space<vmem>> -> memref<1x128xi32, #tpu.memory_space<vmem>>
        %dma_start3A_29 = tpu.memref_squeeze %dma_start3A_28 : memref<1x128xi32, #tpu.memory_space<vmem>> -> memref<128xi32, #tpu.memory_space<vmem>>
        %dma_start3A_30 = arith.constant 0 : i32
        %dma_start3A_31 = arith.constant 0 : i32
        %dma_start3A_32 = tpu.memref_slice %arg10[%dma_start3A_30, %dma_start3A_31] : memref<10240x128xf32, #tpu.memory_space<vmem_shared>> -> memref<10240x128xf32, #tpu.memory_space<vmem_shared>>
        tpu.enqueue_indirect_dma source(%arg9 : memref<128x128xf32, #tpu.memory_space<vmem>>) target(%dma_start3A_32 : memref<10240x128xf32, #tpu.memory_space<vmem_shared>>) offsets(%dma_start3A_29 : memref<128xi32, #tpu.memory_space<vmem>>) semaphore(%run_scoped3A : memref<!tpu.dma_semaphore, #tpu.memory_space<semaphore_mem>>) {add = true}
        %dma_wait3A_33 = arith.constant 0 : i32
        %dma_wait3A_34 = tpu.memref_slice %arg8[%add3A_16, %dma_wait3A_33] : memref<79x128xi32, #tpu.memory_space<vmem>> -> memref<1x128xi32, #tpu.memory_space<vmem>>
        %dma_wait3A_35 = tpu.memref_squeeze %dma_wait3A_34 : memref<1x128xi32, #tpu.memory_space<vmem>> -> memref<128xi32, #tpu.memory_space<vmem>>
        %dma_wait3A_36 = arith.constant 0 : i32
        %dma_wait3A_37 = arith.constant 0 : i32
        %dma_wait3A_38 = tpu.memref_slice %arg10[%dma_wait3A_36, %dma_wait3A_37] : memref<10240x128xf32, #tpu.memory_space<vmem_shared>> -> memref<10240x128xf32, #tpu.memory_space<vmem_shared>>
        tpu.wait_indirect_dma semaphore(%run_scoped3A : memref<!tpu.dma_semaphore, #tpu.memory_space<semaphore_mem>>) src(%arg9 : memref<128x128xf32, #tpu.memory_space<vmem>>) dst(%dma_wait3A_38 : memref<10240x128xf32, #tpu.memory_space<vmem_shared>>)
        tpu.yield
      }) : () -> ()
    }
    %scan3A_6 = arith.constant 79 : i32
    %barrier3A_7 = arith.constant 0 : index
    tpu.barrier barrier_id(%barrier3A_7)
    %mul3A_8 = arith.constant 640 : i32
    %mul3A_9 = arith.muli %arg1, %mul3A_8 : i32
    %mul3A_10 = arith.constant 640 : i32
    %mul3A_11 = arith.muli %arg1, %mul3A_10 : i32
    "tpu.region"() ({
      %run_scoped3A = tpu.sem_alloc : memref<!tpu.dma_semaphore, #tpu.memory_space<semaphore_mem>>
      %dma_start3A = arith.constant 0 : i32
      %dma_start3A_12 = tpu.memref_slice %arg6[%arg0, %mul3A_11, %dma_start3A] : memref<2x10240x128xf32, #tpu.memory_space<hbm>> -> memref<1x640x128xf32, #tpu.memory_space<hbm>>
      %dma_start3A_13 = tpu.memref_squeeze %dma_start3A_12 : memref<1x640x128xf32, #tpu.memory_space<hbm>> -> memref<640x128xf32, #tpu.memory_space<hbm>>
      %dma_start3A_14 = arith.constant 0 : i32
      %dma_start3A_15 = tpu.memref_slice %arg10[%mul3A_9, %dma_start3A_14] : memref<10240x128xf32, #tpu.memory_space<vmem_shared>> -> memref<640x128xf32, #tpu.memory_space<vmem_shared>>
      tpu.enqueue_dma source(%dma_start3A_15 : memref<640x128xf32, #tpu.memory_space<vmem_shared>>) target(%dma_start3A_13 : memref<640x128xf32, #tpu.memory_space<hbm>>) target_semaphore(%run_scoped3A : memref<!tpu.dma_semaphore, #tpu.memory_space<semaphore_mem>>)
      %dma_wait3A = arith.constant 0 : i32
      %dma_wait3A_16 = tpu.memref_slice %arg6[%arg0, %mul3A_11, %dma_wait3A] : memref<2x10240x128xf32, #tpu.memory_space<hbm>> -> memref<1x640x128xf32, #tpu.memory_space<hbm>>
      %dma_wait3A_17 = tpu.memref_squeeze %dma_wait3A_16 : memref<1x640x128xf32, #tpu.memory_space<hbm>> -> memref<640x128xf32, #tpu.memory_space<hbm>>
      %dma_wait3A_18 = arith.constant 0 : i32
      %dma_wait3A_19 = tpu.memref_slice %arg10[%mul3A_9, %dma_wait3A_18] : memref<10240x128xf32, #tpu.memory_space<vmem_shared>> -> memref<640x128xf32, #tpu.memory_space<vmem_shared>>
      tpu.wait_dma2 semaphore(%run_scoped3A : memref<!tpu.dma_semaphore, #tpu.memory_space<semaphore_mem>>) src(%dma_wait3A_19 : memref<640x128xf32, #tpu.memory_space<vmem_shared>>) dst(%dma_wait3A_17 : memref<640x128xf32, #tpu.memory_space<hbm>>)
      tpu.yield
    }) : () -> ()
    return
  }
}

#map = affine_map<(d0, d1) -> (0, 0)>
#map1 = affine_map<(d0, d1) -> (0, 0, 0)>
module attributes {stable_mosaic.version = 14 : i64} {
  func.func @_seg_sum_body(%arg0: i32, %arg1: i32, %arg2: memref<10000x128xf32, #tpu.memory_space<hbm>>, %arg3: memref<32x79x128xi32, #tpu.memory_space<hbm>>, %arg4: memref<32x79x128xi32, #tpu.memory_space<hbm>>, %arg5: memref<640x128xf32, #tpu.memory_space<hbm>>, %arg6: memref<2x10240x128xf32, #tpu.memory_space<hbm>>, %arg7: memref<79x128xi32, #tpu.memory_space<vmem>>, %arg8: memref<79x128xi32, #tpu.memory_space<vmem>>, %arg9: memref<128x128xf32, #tpu.memory_space<vmem>>, %arg10: memref<10240x128xf32, #tpu.memory_space<vmem_shared>>, %arg11: memref<!tpu.dma_semaphore, #tpu.memory_space<semaphore_mem>>) attributes {dimension_semantics = [#tpu.dimension_semantics<core_parallel>, #tpu.dimension_semantics<subcore_parallel>], iteration_bounds = array<i64: 2, 16>, scalar_prefetch = 0 : i64, scratch_operands = 5 : i64, tpu.core_type = #tpu.core_type<sc_vector_subcore>, window_params = [{transform_indices = #map}, {transform_indices = #map1}, {transform_indices = #map1}, {transform_indices = #map}, {transform_indices = #map1}]} {
    %mul3A = arith.constant 16 : i32
    %mul3A_0 = arith.muli %arg0, %mul3A : i32
    %add3A = arith.addi %mul3A_0, %arg1 : i32
    %mul3A_1 = arith.constant 640 : i32
    %mul3A_2 = arith.muli %arg1, %mul3A_1 : i32
    "tpu.region"() ({
      %run_scoped3A = tpu.sem_alloc : memref<!tpu.dma_semaphore, #tpu.memory_space<semaphore_mem>>
      %dma_start3A = arith.constant 0 : i32
      %dma_start3A_12 = tpu.memref_slice %arg10[%mul3A_2, %dma_start3A] : memref<10240x128xf32, #tpu.memory_space<vmem_shared>> -> memref<640x128xf32, #tpu.memory_space<vmem_shared>>
      tpu.enqueue_dma source(%arg5 : memref<640x128xf32, #tpu.memory_space<hbm>>) target(%dma_start3A_12 : memref<640x128xf32, #tpu.memory_space<vmem_shared>>) target_semaphore(%run_scoped3A : memref<!tpu.dma_semaphore, #tpu.memory_space<semaphore_mem>>)
      %dma_wait3A = arith.constant 0 : i32
      %dma_wait3A_13 = tpu.memref_slice %arg10[%mul3A_2, %dma_wait3A] : memref<10240x128xf32, #tpu.memory_space<vmem_shared>> -> memref<640x128xf32, #tpu.memory_space<vmem_shared>>
      tpu.wait_dma2 semaphore(%run_scoped3A : memref<!tpu.dma_semaphore, #tpu.memory_space<semaphore_mem>>) src(%arg5 : memref<640x128xf32, #tpu.memory_space<hbm>>) dst(%dma_wait3A_13 : memref<640x128xf32, #tpu.memory_space<vmem_shared>>)
      tpu.yield
    }) : () -> ()
    "tpu.region"() ({
      %run_scoped3A = tpu.sem_alloc : memref<!tpu.dma_semaphore, #tpu.memory_space<semaphore_mem>>
      %dma_start3A = arith.constant 0 : i32
      %dma_start3A_12 = arith.constant 0 : i32
      %dma_start3A_13 = tpu.memref_slice %arg3[%add3A, %dma_start3A, %dma_start3A_12] : memref<32x79x128xi32, #tpu.memory_space<hbm>> -> memref<1x79x128xi32, #tpu.memory_space<hbm>>
      %dma_start3A_14 = tpu.memref_squeeze %dma_start3A_13 : memref<1x79x128xi32, #tpu.memory_space<hbm>> -> memref<79x128xi32, #tpu.memory_space<hbm>>
      %dma_start3A_15 = arith.constant 0 : i32
      %dma_start3A_16 = arith.constant 0 : i32
      %dma_start3A_17 = tpu.memref_slice %arg3[%add3A, %dma_start3A_15, %dma_start3A_16] : memref<32x79x128xi32, #tpu.memory_space<hbm>> -> memref<1x79x128xi32, #tpu.memory_space<hbm>>
      %dma_start3A_18 = tpu.memref_squeeze %dma_start3A_17 : memref<1x79x128xi32, #tpu.memory_space<hbm>> -> memref<79x128xi32, #tpu.memory_space<hbm>>
      tpu.enqueue_dma source(%dma_start3A_18 : memref<79x128xi32, #tpu.memory_space<hbm>>) target(%arg7 : memref<79x128xi32, #tpu.memory_space<vmem>>) target_semaphore(%run_scoped3A : memref<!tpu.dma_semaphore, #tpu.memory_space<semaphore_mem>>)
      %dma_wait3A = arith.constant 0 : i32
      %dma_wait3A_19 = arith.constant 0 : i32
      %dma_wait3A_20 = tpu.memref_slice %arg3[%add3A, %dma_wait3A, %dma_wait3A_19] : memref<32x79x128xi32, #tpu.memory_space<hbm>> -> memref<1x79x128xi32, #tpu.memory_space<hbm>>
      %dma_wait3A_21 = tpu.memref_squeeze %dma_wait3A_20 : memref<1x79x128xi32, #tpu.memory_space<hbm>> -> memref<79x128xi32, #tpu.memory_space<hbm>>
      %dma_wait3A_22 = arith.constant 0 : i32
      %dma_wait3A_23 = arith.constant 0 : i32
      %dma_wait3A_24 = tpu.memref_slice %arg3[%add3A, %dma_wait3A_22, %dma_wait3A_23] : memref<32x79x128xi32, #tpu.memory_space<hbm>> -> memref<1x79x128xi32, #tpu.memory_space<hbm>>
      %dma_wait3A_25 = tpu.memref_squeeze %dma_wait3A_24 : memref<1x79x128xi32, #tpu.memory_space<hbm>> -> memref<79x128xi32, #tpu.memory_space<hbm>>
      tpu.wait_dma2 semaphore(%run_scoped3A : memref<!tpu.dma_semaphore, #tpu.memory_space<semaphore_mem>>) src(%dma_wait3A_25 : memref<79x128xi32, #tpu.memory_space<hbm>>) dst(%arg7 : memref<79x128xi32, #tpu.memory_space<vmem>>)
      tpu.yield
    }) : () -> ()
    "tpu.region"() ({
      %run_scoped3A = tpu.sem_alloc : memref<!tpu.dma_semaphore, #tpu.memory_space<semaphore_mem>>
      %dma_start3A = arith.constant 0 : i32
      %dma_start3A_12 = arith.constant 0 : i32
      %dma_start3A_13 = tpu.memref_slice %arg4[%add3A, %dma_start3A, %dma_start3A_12] : memref<32x79x128xi32, #tpu.memory_space<hbm>> -> memref<1x79x128xi32, #tpu.memory_space<hbm>>
      %dma_start3A_14 = tpu.memref_squeeze %dma_start3A_13 : memref<1x79x128xi32, #tpu.memory_space<hbm>> -> memref<79x128xi32, #tpu.memory_space<hbm>>
      %dma_start3A_15 = arith.constant 0 : i32
      %dma_start3A_16 = arith.constant 0 : i32
      %dma_start3A_17 = tpu.memref_slice %arg4[%add3A, %dma_start3A_15, %dma_start3A_16] : memref<32x79x128xi32, #tpu.memory_space<hbm>> -> memref<1x79x128xi32, #tpu.memory_space<hbm>>
      %dma_start3A_18 = tpu.memref_squeeze %dma_start3A_17 : memref<1x79x128xi32, #tpu.memory_space<hbm>> -> memref<79x128xi32, #tpu.memory_space<hbm>>
      tpu.enqueue_dma source(%dma_start3A_18 : memref<79x128xi32, #tpu.memory_space<hbm>>) target(%arg8 : memref<79x128xi32, #tpu.memory_space<vmem>>) target_semaphore(%run_scoped3A : memref<!tpu.dma_semaphore, #tpu.memory_space<semaphore_mem>>)
      %dma_wait3A = arith.constant 0 : i32
      %dma_wait3A_19 = arith.constant 0 : i32
      %dma_wait3A_20 = tpu.memref_slice %arg4[%add3A, %dma_wait3A, %dma_wait3A_19] : memref<32x79x128xi32, #tpu.memory_space<hbm>> -> memref<1x79x128xi32, #tpu.memory_space<hbm>>
      %dma_wait3A_21 = tpu.memref_squeeze %dma_wait3A_20 : memref<1x79x128xi32, #tpu.memory_space<hbm>> -> memref<79x128xi32, #tpu.memory_space<hbm>>
      %dma_wait3A_22 = arith.constant 0 : i32
      %dma_wait3A_23 = arith.constant 0 : i32
      %dma_wait3A_24 = tpu.memref_slice %arg4[%add3A, %dma_wait3A_22, %dma_wait3A_23] : memref<32x79x128xi32, #tpu.memory_space<hbm>> -> memref<1x79x128xi32, #tpu.memory_space<hbm>>
      %dma_wait3A_25 = tpu.memref_squeeze %dma_wait3A_24 : memref<1x79x128xi32, #tpu.memory_space<hbm>> -> memref<79x128xi32, #tpu.memory_space<hbm>>
      tpu.wait_dma2 semaphore(%run_scoped3A : memref<!tpu.dma_semaphore, #tpu.memory_space<semaphore_mem>>) src(%dma_wait3A_25 : memref<79x128xi32, #tpu.memory_space<hbm>>) dst(%arg8 : memref<79x128xi32, #tpu.memory_space<vmem>>)
      tpu.yield
    }) : () -> ()
    %barrier3A = arith.constant 0 : index
    tpu.barrier barrier_id(%barrier3A)
    %scan3A = arith.constant 0 : i32
    %scan3A_3 = arith.constant 79 : i32
    %scan3A_4 = arith.addi %scan3A, %scan3A_3 : i32
    %scan3A_5 = arith.constant 1 : i32
    scf.for %scan3A_12 = %scan3A to %scan3A_4 step %scan3A_5  : i32 {
      %mul3A_13 = arith.constant 1 : i32
      %mul3A_14 = arith.muli %scan3A_12, %mul3A_13 : i32
      %add3A_15 = arith.constant 0 : i32
      %add3A_16 = arith.addi %add3A_15, %mul3A_14 : i32
      %dma_start3A = arith.constant 0 : i32
      %dma_start3A_17 = tpu.memref_slice %arg7[%add3A_16, %dma_start3A] : memref<79x128xi32, #tpu.memory_space<vmem>> -> memref<1x128xi32, #tpu.memory_space<vmem>>
      %dma_start3A_18 = tpu.memref_squeeze %dma_start3A_17 : memref<1x128xi32, #tpu.memory_space<vmem>> -> memref<128xi32, #tpu.memory_space<vmem>>
      %dma_start3A_19 = arith.constant 0 : i32
      %dma_start3A_20 = arith.constant 0 : i32
      %dma_start3A_21 = tpu.memref_slice %arg2[%dma_start3A_19, %dma_start3A_20] : memref<10000x128xf32, #tpu.memory_space<hbm>> -> memref<10000x128xf32, #tpu.memory_space<hbm>>
      tpu.enqueue_indirect_dma source(%dma_start3A_21 : memref<10000x128xf32, #tpu.memory_space<hbm>>) target(%arg9 : memref<128x128xf32, #tpu.memory_space<vmem>>) offsets(%dma_start3A_18 : memref<128xi32, #tpu.memory_space<vmem>>) semaphore(%arg11 : memref<!tpu.dma_semaphore, #tpu.memory_space<semaphore_mem>>)
      %dma_wait3A = arith.constant 0 : i32
      %dma_wait3A_22 = tpu.memref_slice %arg7[%add3A_16, %dma_wait3A] : memref<79x128xi32, #tpu.memory_space<vmem>> -> memref<1x128xi32, #tpu.memory_space<vmem>>
      %dma_wait3A_23 = tpu.memref_squeeze %dma_wait3A_22 : memref<1x128xi32, #tpu.memory_space<vmem>> -> memref<128xi32, #tpu.memory_space<vmem>>
      %dma_wait3A_24 = arith.constant 0 : i32
      %dma_wait3A_25 = arith.constant 0 : i32
      %dma_wait3A_26 = tpu.memref_slice %arg2[%dma_wait3A_24, %dma_wait3A_25] : memref<10000x128xf32, #tpu.memory_space<hbm>> -> memref<10000x128xf32, #tpu.memory_space<hbm>>
      tpu.wait_indirect_dma semaphore(%arg11 : memref<!tpu.dma_semaphore, #tpu.memory_space<semaphore_mem>>) src(%dma_wait3A_26 : memref<10000x128xf32, #tpu.memory_space<hbm>>) dst(%arg9 : memref<128x128xf32, #tpu.memory_space<vmem>>)
      "tpu.region"() ({
        %run_scoped3A = tpu.sem_alloc : memref<!tpu.dma_semaphore, #tpu.memory_space<semaphore_mem>>
        %dma_start3A_27 = arith.constant 0 : i32
        %dma_start3A_28 = tpu.memref_slice %arg8[%add3A_16, %dma_start3A_27] : memref<79x128xi32, #tpu.memory_space<vmem>> -> memref<1x128xi32, #tpu.memory_space<vmem>>
        %dma_start3A_29 = tpu.memref_squeeze %dma_start3A_28 : memref<1x128xi32, #tpu.memory_space<vmem>> -> memref<128xi32, #tpu.memory_space<vmem>>
        %dma_start3A_30 = arith.constant 0 : i32
        %dma_start3A_31 = arith.constant 0 : i32
        %dma_start3A_32 = tpu.memref_slice %arg10[%dma_start3A_30, %dma_start3A_31] : memref<10240x128xf32, #tpu.memory_space<vmem_shared>> -> memref<10240x128xf32, #tpu.memory_space<vmem_shared>>
        tpu.enqueue_indirect_dma source(%arg9 : memref<128x128xf32, #tpu.memory_space<vmem>>) target(%dma_start3A_32 : memref<10240x128xf32, #tpu.memory_space<vmem_shared>>) offsets(%dma_start3A_29 : memref<128xi32, #tpu.memory_space<vmem>>) semaphore(%run_scoped3A : memref<!tpu.dma_semaphore, #tpu.memory_space<semaphore_mem>>) {add = true}
        %dma_wait3A_33 = arith.constant 0 : i32
        %dma_wait3A_34 = tpu.memref_slice %arg8[%add3A_16, %dma_wait3A_33] : memref<79x128xi32, #tpu.memory_space<vmem>> -> memref<1x128xi32, #tpu.memory_space<vmem>>
        %dma_wait3A_35 = tpu.memref_squeeze %dma_wait3A_34 : memref<1x128xi32, #tpu.memory_space<vmem>> -> memref<128xi32, #tpu.memory_space<vmem>>
        %dma_wait3A_36 = arith.constant 0 : i32
        %dma_wait3A_37 = arith.constant 0 : i32
        %dma_wait3A_38 = tpu.memref_slice %arg10[%dma_wait3A_36, %dma_wait3A_37] : memref<10240x128xf32, #tpu.memory_space<vmem_shared>> -> memref<10240x128xf32, #tpu.memory_space<vmem_shared>>
        tpu.wait_indirect_dma semaphore(%run_scoped3A : memref<!tpu.dma_semaphore, #tpu.memory_space<semaphore_mem>>) src(%arg9 : memref<128x128xf32, #tpu.memory_space<vmem>>) dst(%dma_wait3A_38 : memref<10240x128xf32, #tpu.memory_space<vmem_shared>>)
        tpu.yield
      }) : () -> ()
    }
    %scan3A_6 = arith.constant 79 : i32
    %barrier3A_7 = arith.constant 0 : index
    tpu.barrier barrier_id(%barrier3A_7)
    %mul3A_8 = arith.constant 640 : i32
    %mul3A_9 = arith.muli %arg1, %mul3A_8 : i32
    %mul3A_10 = arith.constant 640 : i32
    %mul3A_11 = arith.muli %arg1, %mul3A_10 : i32
    "tpu.region"() ({
      %run_scoped3A = tpu.sem_alloc : memref<!tpu.dma_semaphore, #tpu.memory_space<semaphore_mem>>
      %dma_start3A = arith.constant 0 : i32
      %dma_start3A_12 = tpu.memref_slice %arg6[%arg0, %mul3A_11, %dma_start3A] : memref<2x10240x128xf32, #tpu.memory_space<hbm>> -> memref<1x640x128xf32, #tpu.memory_space<hbm>>
      %dma_start3A_13 = tpu.memref_squeeze %dma_start3A_12 : memref<1x640x128xf32, #tpu.memory_space<hbm>> -> memref<640x128xf32, #tpu.memory_space<hbm>>
      %dma_start3A_14 = arith.constant 0 : i32
      %dma_start3A_15 = tpu.memref_slice %arg10[%mul3A_9, %dma_start3A_14] : memref<10240x128xf32, #tpu.memory_space<vmem_shared>> -> memref<640x128xf32, #tpu.memory_space<vmem_shared>>
      tpu.enqueue_dma source(%dma_start3A_15 : memref<640x128xf32, #tpu.memory_space<vmem_shared>>) target(%dma_start3A_13 : memref<640x128xf32, #tpu.memory_space<hbm>>) target_semaphore(%run_scoped3A : memref<!tpu.dma_semaphore, #tpu.memory_space<semaphore_mem>>)
      %dma_wait3A = arith.constant 0 : i32
      %dma_wait3A_16 = tpu.memref_slice %arg6[%arg0, %mul3A_11, %dma_wait3A] : memref<2x10240x128xf32, #tpu.memory_space<hbm>> -> memref<1x640x128xf32, #tpu.memory_space<hbm>>
      %dma_wait3A_17 = tpu.memref_squeeze %dma_wait3A_16 : memref<1x640x128xf32, #tpu.memory_space<hbm>> -> memref<640x128xf32, #tpu.memory_space<hbm>>
      %dma_wait3A_18 = arith.constant 0 : i32
      %dma_wait3A_19 = tpu.memref_slice %arg10[%mul3A_9, %dma_wait3A_18] : memref<10240x128xf32, #tpu.memory_space<vmem_shared>> -> memref<640x128xf32, #tpu.memory_space<vmem_shared>>
      tpu.wait_dma2 semaphore(%run_scoped3A : memref<!tpu.dma_semaphore, #tpu.memory_space<semaphore_mem>>) src(%dma_wait3A_19 : memref<640x128xf32, #tpu.memory_space<vmem_shared>>) dst(%dma_wait3A_17 : memref<640x128xf32, #tpu.memory_space<hbm>>)
      tpu.yield
    }) : () -> ()
    return
  }
}

#map = affine_map<(d0, d1) -> (0, 0)>
#map1 = affine_map<(d0, d1) -> (0, 0, 0)>
module attributes {stable_mosaic.version = 14 : i64} {
  func.func @_seg_sum_body(%arg0: i32, %arg1: i32, %arg2: memref<10000x128xf32, #tpu.memory_space<hbm>>, %arg3: memref<32x79x128xi32, #tpu.memory_space<hbm>>, %arg4: memref<32x79x128xi32, #tpu.memory_space<hbm>>, %arg5: memref<640x128xf32, #tpu.memory_space<hbm>>, %arg6: memref<2x10240x128xf32, #tpu.memory_space<hbm>>, %arg7: memref<79x128xi32, #tpu.memory_space<vmem>>, %arg8: memref<79x128xi32, #tpu.memory_space<vmem>>, %arg9: memref<128x128xf32, #tpu.memory_space<vmem>>, %arg10: memref<10240x128xf32, #tpu.memory_space<vmem_shared>>, %arg11: memref<!tpu.dma_semaphore, #tpu.memory_space<semaphore_mem>>) attributes {dimension_semantics = [#tpu.dimension_semantics<core_parallel>, #tpu.dimension_semantics<subcore_parallel>], iteration_bounds = array<i64: 2, 16>, scalar_prefetch = 0 : i64, scratch_operands = 5 : i64, tpu.core_type = #tpu.core_type<sc_vector_subcore>, window_params = [{transform_indices = #map}, {transform_indices = #map1}, {transform_indices = #map1}, {transform_indices = #map}, {transform_indices = #map1}]} {
    %mul3A = arith.constant 16 : i32
    %mul3A_0 = arith.muli %arg0, %mul3A : i32
    %add3A = arith.addi %mul3A_0, %arg1 : i32
    %mul3A_1 = arith.constant 640 : i32
    %mul3A_2 = arith.muli %arg1, %mul3A_1 : i32
    "tpu.region"() ({
      %run_scoped3A = tpu.sem_alloc : memref<!tpu.dma_semaphore, #tpu.memory_space<semaphore_mem>>
      %dma_start3A = arith.constant 0 : i32
      %dma_start3A_12 = tpu.memref_slice %arg10[%mul3A_2, %dma_start3A] : memref<10240x128xf32, #tpu.memory_space<vmem_shared>> -> memref<640x128xf32, #tpu.memory_space<vmem_shared>>
      tpu.enqueue_dma source(%arg5 : memref<640x128xf32, #tpu.memory_space<hbm>>) target(%dma_start3A_12 : memref<640x128xf32, #tpu.memory_space<vmem_shared>>) target_semaphore(%run_scoped3A : memref<!tpu.dma_semaphore, #tpu.memory_space<semaphore_mem>>)
      %dma_wait3A = arith.constant 0 : i32
      %dma_wait3A_13 = tpu.memref_slice %arg10[%mul3A_2, %dma_wait3A] : memref<10240x128xf32, #tpu.memory_space<vmem_shared>> -> memref<640x128xf32, #tpu.memory_space<vmem_shared>>
      tpu.wait_dma2 semaphore(%run_scoped3A : memref<!tpu.dma_semaphore, #tpu.memory_space<semaphore_mem>>) src(%arg5 : memref<640x128xf32, #tpu.memory_space<hbm>>) dst(%dma_wait3A_13 : memref<640x128xf32, #tpu.memory_space<vmem_shared>>)
      tpu.yield
    }) : () -> ()
    "tpu.region"() ({
      %run_scoped3A = tpu.sem_alloc : memref<!tpu.dma_semaphore, #tpu.memory_space<semaphore_mem>>
      %dma_start3A = arith.constant 0 : i32
      %dma_start3A_12 = arith.constant 0 : i32
      %dma_start3A_13 = tpu.memref_slice %arg3[%add3A, %dma_start3A, %dma_start3A_12] : memref<32x79x128xi32, #tpu.memory_space<hbm>> -> memref<1x79x128xi32, #tpu.memory_space<hbm>>
      %dma_start3A_14 = tpu.memref_squeeze %dma_start3A_13 : memref<1x79x128xi32, #tpu.memory_space<hbm>> -> memref<79x128xi32, #tpu.memory_space<hbm>>
      %dma_start3A_15 = arith.constant 0 : i32
      %dma_start3A_16 = arith.constant 0 : i32
      %dma_start3A_17 = tpu.memref_slice %arg3[%add3A, %dma_start3A_15, %dma_start3A_16] : memref<32x79x128xi32, #tpu.memory_space<hbm>> -> memref<1x79x128xi32, #tpu.memory_space<hbm>>
      %dma_start3A_18 = tpu.memref_squeeze %dma_start3A_17 : memref<1x79x128xi32, #tpu.memory_space<hbm>> -> memref<79x128xi32, #tpu.memory_space<hbm>>
      tpu.enqueue_dma source(%dma_start3A_18 : memref<79x128xi32, #tpu.memory_space<hbm>>) target(%arg7 : memref<79x128xi32, #tpu.memory_space<vmem>>) target_semaphore(%run_scoped3A : memref<!tpu.dma_semaphore, #tpu.memory_space<semaphore_mem>>)
      %dma_wait3A = arith.constant 0 : i32
      %dma_wait3A_19 = arith.constant 0 : i32
      %dma_wait3A_20 = tpu.memref_slice %arg3[%add3A, %dma_wait3A, %dma_wait3A_19] : memref<32x79x128xi32, #tpu.memory_space<hbm>> -> memref<1x79x128xi32, #tpu.memory_space<hbm>>
      %dma_wait3A_21 = tpu.memref_squeeze %dma_wait3A_20 : memref<1x79x128xi32, #tpu.memory_space<hbm>> -> memref<79x128xi32, #tpu.memory_space<hbm>>
      %dma_wait3A_22 = arith.constant 0 : i32
      %dma_wait3A_23 = arith.constant 0 : i32
      %dma_wait3A_24 = tpu.memref_slice %arg3[%add3A, %dma_wait3A_22, %dma_wait3A_23] : memref<32x79x128xi32, #tpu.memory_space<hbm>> -> memref<1x79x128xi32, #tpu.memory_space<hbm>>
      %dma_wait3A_25 = tpu.memref_squeeze %dma_wait3A_24 : memref<1x79x128xi32, #tpu.memory_space<hbm>> -> memref<79x128xi32, #tpu.memory_space<hbm>>
      tpu.wait_dma2 semaphore(%run_scoped3A : memref<!tpu.dma_semaphore, #tpu.memory_space<semaphore_mem>>) src(%dma_wait3A_25 : memref<79x128xi32, #tpu.memory_space<hbm>>) dst(%arg7 : memref<79x128xi32, #tpu.memory_space<vmem>>)
      tpu.yield
    }) : () -> ()
    "tpu.region"() ({
      %run_scoped3A = tpu.sem_alloc : memref<!tpu.dma_semaphore, #tpu.memory_space<semaphore_mem>>
      %dma_start3A = arith.constant 0 : i32
      %dma_start3A_12 = arith.constant 0 : i32
      %dma_start3A_13 = tpu.memref_slice %arg4[%add3A, %dma_start3A, %dma_start3A_12] : memref<32x79x128xi32, #tpu.memory_space<hbm>> -> memref<1x79x128xi32, #tpu.memory_space<hbm>>
      %dma_start3A_14 = tpu.memref_squeeze %dma_start3A_13 : memref<1x79x128xi32, #tpu.memory_space<hbm>> -> memref<79x128xi32, #tpu.memory_space<hbm>>
      %dma_start3A_15 = arith.constant 0 : i32
      %dma_start3A_16 = arith.constant 0 : i32
      %dma_start3A_17 = tpu.memref_slice %arg4[%add3A, %dma_start3A_15, %dma_start3A_16] : memref<32x79x128xi32, #tpu.memory_space<hbm>> -> memref<1x79x128xi32, #tpu.memory_space<hbm>>
      %dma_start3A_18 = tpu.memref_squeeze %dma_start3A_17 : memref<1x79x128xi32, #tpu.memory_space<hbm>> -> memref<79x128xi32, #tpu.memory_space<hbm>>
      tpu.enqueue_dma source(%dma_start3A_18 : memref<79x128xi32, #tpu.memory_space<hbm>>) target(%arg8 : memref<79x128xi32, #tpu.memory_space<vmem>>) target_semaphore(%run_scoped3A : memref<!tpu.dma_semaphore, #tpu.memory_space<semaphore_mem>>)
      %dma_wait3A = arith.constant 0 : i32
      %dma_wait3A_19 = arith.constant 0 : i32
      %dma_wait3A_20 = tpu.memref_slice %arg4[%add3A, %dma_wait3A, %dma_wait3A_19] : memref<32x79x128xi32, #tpu.memory_space<hbm>> -> memref<1x79x128xi32, #tpu.memory_space<hbm>>
      %dma_wait3A_21 = tpu.memref_squeeze %dma_wait3A_20 : memref<1x79x128xi32, #tpu.memory_space<hbm>> -> memref<79x128xi32, #tpu.memory_space<hbm>>
      %dma_wait3A_22 = arith.constant 0 : i32
      %dma_wait3A_23 = arith.constant 0 : i32
      %dma_wait3A_24 = tpu.memref_slice %arg4[%add3A, %dma_wait3A_22, %dma_wait3A_23] : memref<32x79x128xi32, #tpu.memory_space<hbm>> -> memref<1x79x128xi32, #tpu.memory_space<hbm>>
      %dma_wait3A_25 = tpu.memref_squeeze %dma_wait3A_24 : memref<1x79x128xi32, #tpu.memory_space<hbm>> -> memref<79x128xi32, #tpu.memory_space<hbm>>
      tpu.wait_dma2 semaphore(%run_scoped3A : memref<!tpu.dma_semaphore, #tpu.memory_space<semaphore_mem>>) src(%dma_wait3A_25 : memref<79x128xi32, #tpu.memory_space<hbm>>) dst(%arg8 : memref<79x128xi32, #tpu.memory_space<vmem>>)
      tpu.yield
    }) : () -> ()
    %barrier3A = arith.constant 0 : index
    tpu.barrier barrier_id(%barrier3A)
    %scan3A = arith.constant 0 : i32
    %scan3A_3 = arith.constant 79 : i32
    %scan3A_4 = arith.addi %scan3A, %scan3A_3 : i32
    %scan3A_5 = arith.constant 1 : i32
    scf.for %scan3A_12 = %scan3A to %scan3A_4 step %scan3A_5  : i32 {
      %mul3A_13 = arith.constant 1 : i32
      %mul3A_14 = arith.muli %scan3A_12, %mul3A_13 : i32
      %add3A_15 = arith.constant 0 : i32
      %add3A_16 = arith.addi %add3A_15, %mul3A_14 : i32
      %dma_start3A = arith.constant 0 : i32
      %dma_start3A_17 = tpu.memref_slice %arg7[%add3A_16, %dma_start3A] : memref<79x128xi32, #tpu.memory_space<vmem>> -> memref<1x128xi32, #tpu.memory_space<vmem>>
      %dma_start3A_18 = tpu.memref_squeeze %dma_start3A_17 : memref<1x128xi32, #tpu.memory_space<vmem>> -> memref<128xi32, #tpu.memory_space<vmem>>
      %dma_start3A_19 = arith.constant 0 : i32
      %dma_start3A_20 = arith.constant 0 : i32
      %dma_start3A_21 = tpu.memref_slice %arg2[%dma_start3A_19, %dma_start3A_20] : memref<10000x128xf32, #tpu.memory_space<hbm>> -> memref<10000x128xf32, #tpu.memory_space<hbm>>
      tpu.enqueue_indirect_dma source(%dma_start3A_21 : memref<10000x128xf32, #tpu.memory_space<hbm>>) target(%arg9 : memref<128x128xf32, #tpu.memory_space<vmem>>) offsets(%dma_start3A_18 : memref<128xi32, #tpu.memory_space<vmem>>) semaphore(%arg11 : memref<!tpu.dma_semaphore, #tpu.memory_space<semaphore_mem>>)
      %dma_wait3A = arith.constant 0 : i32
      %dma_wait3A_22 = tpu.memref_slice %arg7[%add3A_16, %dma_wait3A] : memref<79x128xi32, #tpu.memory_space<vmem>> -> memref<1x128xi32, #tpu.memory_space<vmem>>
      %dma_wait3A_23 = tpu.memref_squeeze %dma_wait3A_22 : memref<1x128xi32, #tpu.memory_space<vmem>> -> memref<128xi32, #tpu.memory_space<vmem>>
      %dma_wait3A_24 = arith.constant 0 : i32
      %dma_wait3A_25 = arith.constant 0 : i32
      %dma_wait3A_26 = tpu.memref_slice %arg2[%dma_wait3A_24, %dma_wait3A_25] : memref<10000x128xf32, #tpu.memory_space<hbm>> -> memref<10000x128xf32, #tpu.memory_space<hbm>>
      tpu.wait_indirect_dma semaphore(%arg11 : memref<!tpu.dma_semaphore, #tpu.memory_space<semaphore_mem>>) src(%dma_wait3A_26 : memref<10000x128xf32, #tpu.memory_space<hbm>>) dst(%arg9 : memref<128x128xf32, #tpu.memory_space<vmem>>)
      "tpu.region"() ({
        %run_scoped3A = tpu.sem_alloc : memref<!tpu.dma_semaphore, #tpu.memory_space<semaphore_mem>>
        %dma_start3A_27 = arith.constant 0 : i32
        %dma_start3A_28 = tpu.memref_slice %arg8[%add3A_16, %dma_start3A_27] : memref<79x128xi32, #tpu.memory_space<vmem>> -> memref<1x128xi32, #tpu.memory_space<vmem>>
        %dma_start3A_29 = tpu.memref_squeeze %dma_start3A_28 : memref<1x128xi32, #tpu.memory_space<vmem>> -> memref<128xi32, #tpu.memory_space<vmem>>
        %dma_start3A_30 = arith.constant 0 : i32
        %dma_start3A_31 = arith.constant 0 : i32
        %dma_start3A_32 = tpu.memref_slice %arg10[%dma_start3A_30, %dma_start3A_31] : memref<10240x128xf32, #tpu.memory_space<vmem_shared>> -> memref<10240x128xf32, #tpu.memory_space<vmem_shared>>
        tpu.enqueue_indirect_dma source(%arg9 : memref<128x128xf32, #tpu.memory_space<vmem>>) target(%dma_start3A_32 : memref<10240x128xf32, #tpu.memory_space<vmem_shared>>) offsets(%dma_start3A_29 : memref<128xi32, #tpu.memory_space<vmem>>) semaphore(%run_scoped3A : memref<!tpu.dma_semaphore, #tpu.memory_space<semaphore_mem>>) {add = true}
        %dma_wait3A_33 = arith.constant 0 : i32
        %dma_wait3A_34 = tpu.memref_slice %arg8[%add3A_16, %dma_wait3A_33] : memref<79x128xi32, #tpu.memory_space<vmem>> -> memref<1x128xi32, #tpu.memory_space<vmem>>
        %dma_wait3A_35 = tpu.memref_squeeze %dma_wait3A_34 : memref<1x128xi32, #tpu.memory_space<vmem>> -> memref<128xi32, #tpu.memory_space<vmem>>
        %dma_wait3A_36 = arith.constant 0 : i32
        %dma_wait3A_37 = arith.constant 0 : i32
        %dma_wait3A_38 = tpu.memref_slice %arg10[%dma_wait3A_36, %dma_wait3A_37] : memref<10240x128xf32, #tpu.memory_space<vmem_shared>> -> memref<10240x128xf32, #tpu.memory_space<vmem_shared>>
        tpu.wait_indirect_dma semaphore(%run_scoped3A : memref<!tpu.dma_semaphore, #tpu.memory_space<semaphore_mem>>) src(%arg9 : memref<128x128xf32, #tpu.memory_space<vmem>>) dst(%dma_wait3A_38 : memref<10240x128xf32, #tpu.memory_space<vmem_shared>>)
        tpu.yield
      }) : () -> ()
    }
    %scan3A_6 = arith.constant 79 : i32
    %barrier3A_7 = arith.constant 0 : index
    tpu.barrier barrier_id(%barrier3A_7)
    %mul3A_8 = arith.constant 640 : i32
    %mul3A_9 = arith.muli %arg1, %mul3A_8 : i32
    %mul3A_10 = arith.constant 640 : i32
    %mul3A_11 = arith.muli %arg1, %mul3A_10 : i32
    "tpu.region"() ({
      %run_scoped3A = tpu.sem_alloc : memref<!tpu.dma_semaphore, #tpu.memory_space<semaphore_mem>>
      %dma_start3A = arith.constant 0 : i32
      %dma_start3A_12 = tpu.memref_slice %arg6[%arg0, %mul3A_11, %dma_start3A] : memref<2x10240x128xf32, #tpu.memory_space<hbm>> -> memref<1x640x128xf32, #tpu.memory_space<hbm>>
      %dma_start3A_13 = tpu.memref_squeeze %dma_start3A_12 : memref<1x640x128xf32, #tpu.memory_space<hbm>> -> memref<640x128xf32, #tpu.memory_space<hbm>>
      %dma_start3A_14 = arith.constant 0 : i32
      %dma_start3A_15 = tpu.memref_slice %arg10[%mul3A_9, %dma_start3A_14] : memref<10240x128xf32, #tpu.memory_space<vmem_shared>> -> memref<640x128xf32, #tpu.memory_space<vmem_shared>>
      tpu.enqueue_dma source(%dma_start3A_15 : memref<640x128xf32, #tpu.memory_space<vmem_shared>>) target(%dma_start3A_13 : memref<640x128xf32, #tpu.memory_space<hbm>>) target_semaphore(%run_scoped3A : memref<!tpu.dma_semaphore, #tpu.memory_space<semaphore_mem>>)
      %dma_wait3A = arith.constant 0 : i32
      %dma_wait3A_16 = tpu.memref_slice %arg6[%arg0, %mul3A_11, %dma_wait3A] : memref<2x10240x128xf32, #tpu.memory_space<hbm>> -> memref<1x640x128xf32, #tpu.memory_space<hbm>>
      %dma_wait3A_17 = tpu.memref_squeeze %dma_wait3A_16 : memref<1x640x128xf32, #tpu.memory_space<hbm>> -> memref<640x128xf32, #tpu.memory_space<hbm>>
      %dma_wait3A_18 = arith.constant 0 : i32
      %dma_wait3A_19 = tpu.memref_slice %arg10[%mul3A_9, %dma_wait3A_18] : memref<10240x128xf32, #tpu.memory_space<vmem_shared>> -> memref<640x128xf32, #tpu.memory_space<vmem_shared>>
      tpu.wait_dma2 semaphore(%run_scoped3A : memref<!tpu.dma_semaphore, #tpu.memory_space<semaphore_mem>>) src(%dma_wait3A_19 : memref<640x128xf32, #tpu.memory_space<vmem_shared>>) dst(%dma_wait3A_17 : memref<640x128xf32, #tpu.memory_space<hbm>>)
      tpu.yield
    }) : () -> ()
    return
  }
}

#map = affine_map<(d0, d1) -> (0, 0)>
#map1 = affine_map<(d0, d1) -> (0, 0, 0)>
module attributes {stable_mosaic.version = 14 : i64} {
  func.func @_seg_sum_body(%arg0: i32, %arg1: i32, %arg2: memref<10000x128xf32, #tpu.memory_space<hbm>>, %arg3: memref<32x79x128xi32, #tpu.memory_space<hbm>>, %arg4: memref<32x79x128xi32, #tpu.memory_space<hbm>>, %arg5: memref<640x128xf32, #tpu.memory_space<hbm>>, %arg6: memref<2x10240x128xf32, #tpu.memory_space<hbm>>, %arg7: memref<79x128xi32, #tpu.memory_space<vmem>>, %arg8: memref<79x128xi32, #tpu.memory_space<vmem>>, %arg9: memref<128x128xf32, #tpu.memory_space<vmem>>, %arg10: memref<10240x128xf32, #tpu.memory_space<vmem_shared>>, %arg11: memref<!tpu.dma_semaphore, #tpu.memory_space<semaphore_mem>>) attributes {dimension_semantics = [#tpu.dimension_semantics<core_parallel>, #tpu.dimension_semantics<subcore_parallel>], iteration_bounds = array<i64: 2, 16>, scalar_prefetch = 0 : i64, scratch_operands = 5 : i64, tpu.core_type = #tpu.core_type<sc_vector_subcore>, window_params = [{transform_indices = #map}, {transform_indices = #map1}, {transform_indices = #map1}, {transform_indices = #map}, {transform_indices = #map1}]} {
    %mul3A = arith.constant 16 : i32
    %mul3A_0 = arith.muli %arg0, %mul3A : i32
    %add3A = arith.addi %mul3A_0, %arg1 : i32
    %mul3A_1 = arith.constant 640 : i32
    %mul3A_2 = arith.muli %arg1, %mul3A_1 : i32
    "tpu.region"() ({
      %run_scoped3A = tpu.sem_alloc : memref<!tpu.dma_semaphore, #tpu.memory_space<semaphore_mem>>
      %dma_start3A = arith.constant 0 : i32
      %dma_start3A_12 = tpu.memref_slice %arg10[%mul3A_2, %dma_start3A] : memref<10240x128xf32, #tpu.memory_space<vmem_shared>> -> memref<640x128xf32, #tpu.memory_space<vmem_shared>>
      tpu.enqueue_dma source(%arg5 : memref<640x128xf32, #tpu.memory_space<hbm>>) target(%dma_start3A_12 : memref<640x128xf32, #tpu.memory_space<vmem_shared>>) target_semaphore(%run_scoped3A : memref<!tpu.dma_semaphore, #tpu.memory_space<semaphore_mem>>)
      %dma_wait3A = arith.constant 0 : i32
      %dma_wait3A_13 = tpu.memref_slice %arg10[%mul3A_2, %dma_wait3A] : memref<10240x128xf32, #tpu.memory_space<vmem_shared>> -> memref<640x128xf32, #tpu.memory_space<vmem_shared>>
      tpu.wait_dma2 semaphore(%run_scoped3A : memref<!tpu.dma_semaphore, #tpu.memory_space<semaphore_mem>>) src(%arg5 : memref<640x128xf32, #tpu.memory_space<hbm>>) dst(%dma_wait3A_13 : memref<640x128xf32, #tpu.memory_space<vmem_shared>>)
      tpu.yield
    }) : () -> ()
    "tpu.region"() ({
      %run_scoped3A = tpu.sem_alloc : memref<!tpu.dma_semaphore, #tpu.memory_space<semaphore_mem>>
      %dma_start3A = arith.constant 0 : i32
      %dma_start3A_12 = arith.constant 0 : i32
      %dma_start3A_13 = tpu.memref_slice %arg3[%add3A, %dma_start3A, %dma_start3A_12] : memref<32x79x128xi32, #tpu.memory_space<hbm>> -> memref<1x79x128xi32, #tpu.memory_space<hbm>>
      %dma_start3A_14 = tpu.memref_squeeze %dma_start3A_13 : memref<1x79x128xi32, #tpu.memory_space<hbm>> -> memref<79x128xi32, #tpu.memory_space<hbm>>
      %dma_start3A_15 = arith.constant 0 : i32
      %dma_start3A_16 = arith.constant 0 : i32
      %dma_start3A_17 = tpu.memref_slice %arg3[%add3A, %dma_start3A_15, %dma_start3A_16] : memref<32x79x128xi32, #tpu.memory_space<hbm>> -> memref<1x79x128xi32, #tpu.memory_space<hbm>>
      %dma_start3A_18 = tpu.memref_squeeze %dma_start3A_17 : memref<1x79x128xi32, #tpu.memory_space<hbm>> -> memref<79x128xi32, #tpu.memory_space<hbm>>
      tpu.enqueue_dma source(%dma_start3A_18 : memref<79x128xi32, #tpu.memory_space<hbm>>) target(%arg7 : memref<79x128xi32, #tpu.memory_space<vmem>>) target_semaphore(%run_scoped3A : memref<!tpu.dma_semaphore, #tpu.memory_space<semaphore_mem>>)
      %dma_wait3A = arith.constant 0 : i32
      %dma_wait3A_19 = arith.constant 0 : i32
      %dma_wait3A_20 = tpu.memref_slice %arg3[%add3A, %dma_wait3A, %dma_wait3A_19] : memref<32x79x128xi32, #tpu.memory_space<hbm>> -> memref<1x79x128xi32, #tpu.memory_space<hbm>>
      %dma_wait3A_21 = tpu.memref_squeeze %dma_wait3A_20 : memref<1x79x128xi32, #tpu.memory_space<hbm>> -> memref<79x128xi32, #tpu.memory_space<hbm>>
      %dma_wait3A_22 = arith.constant 0 : i32
      %dma_wait3A_23 = arith.constant 0 : i32
      %dma_wait3A_24 = tpu.memref_slice %arg3[%add3A, %dma_wait3A_22, %dma_wait3A_23] : memref<32x79x128xi32, #tpu.memory_space<hbm>> -> memref<1x79x128xi32, #tpu.memory_space<hbm>>
      %dma_wait3A_25 = tpu.memref_squeeze %dma_wait3A_24 : memref<1x79x128xi32, #tpu.memory_space<hbm>> -> memref<79x128xi32, #tpu.memory_space<hbm>>
      tpu.wait_dma2 semaphore(%run_scoped3A : memref<!tpu.dma_semaphore, #tpu.memory_space<semaphore_mem>>) src(%dma_wait3A_25 : memref<79x128xi32, #tpu.memory_space<hbm>>) dst(%arg7 : memref<79x128xi32, #tpu.memory_space<vmem>>)
      tpu.yield
    }) : () -> ()
    "tpu.region"() ({
      %run_scoped3A = tpu.sem_alloc : memref<!tpu.dma_semaphore, #tpu.memory_space<semaphore_mem>>
      %dma_start3A = arith.constant 0 : i32
      %dma_start3A_12 = arith.constant 0 : i32
      %dma_start3A_13 = tpu.memref_slice %arg4[%add3A, %dma_start3A, %dma_start3A_12] : memref<32x79x128xi32, #tpu.memory_space<hbm>> -> memref<1x79x128xi32, #tpu.memory_space<hbm>>
      %dma_start3A_14 = tpu.memref_squeeze %dma_start3A_13 : memref<1x79x128xi32, #tpu.memory_space<hbm>> -> memref<79x128xi32, #tpu.memory_space<hbm>>
      %dma_start3A_15 = arith.constant 0 : i32
      %dma_start3A_16 = arith.constant 0 : i32
      %dma_start3A_17 = tpu.memref_slice %arg4[%add3A, %dma_start3A_15, %dma_start3A_16] : memref<32x79x128xi32, #tpu.memory_space<hbm>> -> memref<1x79x128xi32, #tpu.memory_space<hbm>>
      %dma_start3A_18 = tpu.memref_squeeze %dma_start3A_17 : memref<1x79x128xi32, #tpu.memory_space<hbm>> -> memref<79x128xi32, #tpu.memory_space<hbm>>
      tpu.enqueue_dma source(%dma_start3A_18 : memref<79x128xi32, #tpu.memory_space<hbm>>) target(%arg8 : memref<79x128xi32, #tpu.memory_space<vmem>>) target_semaphore(%run_scoped3A : memref<!tpu.dma_semaphore, #tpu.memory_space<semaphore_mem>>)
      %dma_wait3A = arith.constant 0 : i32
      %dma_wait3A_19 = arith.constant 0 : i32
      %dma_wait3A_20 = tpu.memref_slice %arg4[%add3A, %dma_wait3A, %dma_wait3A_19] : memref<32x79x128xi32, #tpu.memory_space<hbm>> -> memref<1x79x128xi32, #tpu.memory_space<hbm>>
      %dma_wait3A_21 = tpu.memref_squeeze %dma_wait3A_20 : memref<1x79x128xi32, #tpu.memory_space<hbm>> -> memref<79x128xi32, #tpu.memory_space<hbm>>
      %dma_wait3A_22 = arith.constant 0 : i32
      %dma_wait3A_23 = arith.constant 0 : i32
      %dma_wait3A_24 = tpu.memref_slice %arg4[%add3A, %dma_wait3A_22, %dma_wait3A_23] : memref<32x79x128xi32, #tpu.memory_space<hbm>> -> memref<1x79x128xi32, #tpu.memory_space<hbm>>
      %dma_wait3A_25 = tpu.memref_squeeze %dma_wait3A_24 : memref<1x79x128xi32, #tpu.memory_space<hbm>> -> memref<79x128xi32, #tpu.memory_space<hbm>>
      tpu.wait_dma2 semaphore(%run_scoped3A : memref<!tpu.dma_semaphore, #tpu.memory_space<semaphore_mem>>) src(%dma_wait3A_25 : memref<79x128xi32, #tpu.memory_space<hbm>>) dst(%arg8 : memref<79x128xi32, #tpu.memory_space<vmem>>)
      tpu.yield
    }) : () -> ()
    %barrier3A = arith.constant 0 : index
    tpu.barrier barrier_id(%barrier3A)
    %scan3A = arith.constant 0 : i32
    %scan3A_3 = arith.constant 79 : i32
    %scan3A_4 = arith.addi %scan3A, %scan3A_3 : i32
    %scan3A_5 = arith.constant 1 : i32
    scf.for %scan3A_12 = %scan3A to %scan3A_4 step %scan3A_5  : i32 {
      %mul3A_13 = arith.constant 1 : i32
      %mul3A_14 = arith.muli %scan3A_12, %mul3A_13 : i32
      %add3A_15 = arith.constant 0 : i32
      %add3A_16 = arith.addi %add3A_15, %mul3A_14 : i32
      %dma_start3A = arith.constant 0 : i32
      %dma_start3A_17 = tpu.memref_slice %arg7[%add3A_16, %dma_start3A] : memref<79x128xi32, #tpu.memory_space<vmem>> -> memref<1x128xi32, #tpu.memory_space<vmem>>
      %dma_start3A_18 = tpu.memref_squeeze %dma_start3A_17 : memref<1x128xi32, #tpu.memory_space<vmem>> -> memref<128xi32, #tpu.memory_space<vmem>>
      %dma_start3A_19 = arith.constant 0 : i32
      %dma_start3A_20 = arith.constant 0 : i32
      %dma_start3A_21 = tpu.memref_slice %arg2[%dma_start3A_19, %dma_start3A_20] : memref<10000x128xf32, #tpu.memory_space<hbm>> -> memref<10000x128xf32, #tpu.memory_space<hbm>>
      tpu.enqueue_indirect_dma source(%dma_start3A_21 : memref<10000x128xf32, #tpu.memory_space<hbm>>) target(%arg9 : memref<128x128xf32, #tpu.memory_space<vmem>>) offsets(%dma_start3A_18 : memref<128xi32, #tpu.memory_space<vmem>>) semaphore(%arg11 : memref<!tpu.dma_semaphore, #tpu.memory_space<semaphore_mem>>)
      %dma_wait3A = arith.constant 0 : i32
      %dma_wait3A_22 = tpu.memref_slice %arg7[%add3A_16, %dma_wait3A] : memref<79x128xi32, #tpu.memory_space<vmem>> -> memref<1x128xi32, #tpu.memory_space<vmem>>
      %dma_wait3A_23 = tpu.memref_squeeze %dma_wait3A_22 : memref<1x128xi32, #tpu.memory_space<vmem>> -> memref<128xi32, #tpu.memory_space<vmem>>
      %dma_wait3A_24 = arith.constant 0 : i32
      %dma_wait3A_25 = arith.constant 0 : i32
      %dma_wait3A_26 = tpu.memref_slice %arg2[%dma_wait3A_24, %dma_wait3A_25] : memref<10000x128xf32, #tpu.memory_space<hbm>> -> memref<10000x128xf32, #tpu.memory_space<hbm>>
      tpu.wait_indirect_dma semaphore(%arg11 : memref<!tpu.dma_semaphore, #tpu.memory_space<semaphore_mem>>) src(%dma_wait3A_26 : memref<10000x128xf32, #tpu.memory_space<hbm>>) dst(%arg9 : memref<128x128xf32, #tpu.memory_space<vmem>>)
      "tpu.region"() ({
        %run_scoped3A = tpu.sem_alloc : memref<!tpu.dma_semaphore, #tpu.memory_space<semaphore_mem>>
        %dma_start3A_27 = arith.constant 0 : i32
        %dma_start3A_28 = tpu.memref_slice %arg8[%add3A_16, %dma_start3A_27] : memref<79x128xi32, #tpu.memory_space<vmem>> -> memref<1x128xi32, #tpu.memory_space<vmem>>
        %dma_start3A_29 = tpu.memref_squeeze %dma_start3A_28 : memref<1x128xi32, #tpu.memory_space<vmem>> -> memref<128xi32, #tpu.memory_space<vmem>>
        %dma_start3A_30 = arith.constant 0 : i32
        %dma_start3A_31 = arith.constant 0 : i32
        %dma_start3A_32 = tpu.memref_slice %arg10[%dma_start3A_30, %dma_start3A_31] : memref<10240x128xf32, #tpu.memory_space<vmem_shared>> -> memref<10240x128xf32, #tpu.memory_space<vmem_shared>>
        tpu.enqueue_indirect_dma source(%arg9 : memref<128x128xf32, #tpu.memory_space<vmem>>) target(%dma_start3A_32 : memref<10240x128xf32, #tpu.memory_space<vmem_shared>>) offsets(%dma_start3A_29 : memref<128xi32, #tpu.memory_space<vmem>>) semaphore(%run_scoped3A : memref<!tpu.dma_semaphore, #tpu.memory_space<semaphore_mem>>) {add = true}
        %dma_wait3A_33 = arith.constant 0 : i32
        %dma_wait3A_34 = tpu.memref_slice %arg8[%add3A_16, %dma_wait3A_33] : memref<79x128xi32, #tpu.memory_space<vmem>> -> memref<1x128xi32, #tpu.memory_space<vmem>>
        %dma_wait3A_35 = tpu.memref_squeeze %dma_wait3A_34 : memref<1x128xi32, #tpu.memory_space<vmem>> -> memref<128xi32, #tpu.memory_space<vmem>>
        %dma_wait3A_36 = arith.constant 0 : i32
        %dma_wait3A_37 = arith.constant 0 : i32
        %dma_wait3A_38 = tpu.memref_slice %arg10[%dma_wait3A_36, %dma_wait3A_37] : memref<10240x128xf32, #tpu.memory_space<vmem_shared>> -> memref<10240x128xf32, #tpu.memory_space<vmem_shared>>
        tpu.wait_indirect_dma semaphore(%run_scoped3A : memref<!tpu.dma_semaphore, #tpu.memory_space<semaphore_mem>>) src(%arg9 : memref<128x128xf32, #tpu.memory_space<vmem>>) dst(%dma_wait3A_38 : memref<10240x128xf32, #tpu.memory_space<vmem_shared>>)
        tpu.yield
      }) : () -> ()
    }
    %scan3A_6 = arith.constant 79 : i32
    %barrier3A_7 = arith.constant 0 : index
    tpu.barrier barrier_id(%barrier3A_7)
    %mul3A_8 = arith.constant 640 : i32
    %mul3A_9 = arith.muli %arg1, %mul3A_8 : i32
    %mul3A_10 = arith.constant 640 : i32
    %mul3A_11 = arith.muli %arg1, %mul3A_10 : i32
    "tpu.region"() ({
      %run_scoped3A = tpu.sem_alloc : memref<!tpu.dma_semaphore, #tpu.memory_space<semaphore_mem>>
      %dma_start3A = arith.constant 0 : i32
      %dma_start3A_12 = tpu.memref_slice %arg6[%arg0, %mul3A_11, %dma_start3A] : memref<2x10240x128xf32, #tpu.memory_space<hbm>> -> memref<1x640x128xf32, #tpu.memory_space<hbm>>
      %dma_start3A_13 = tpu.memref_squeeze %dma_start3A_12 : memref<1x640x128xf32, #tpu.memory_space<hbm>> -> memref<640x128xf32, #tpu.memory_space<hbm>>
      %dma_start3A_14 = arith.constant 0 : i32
      %dma_start3A_15 = tpu.memref_slice %arg10[%mul3A_9, %dma_start3A_14] : memref<10240x128xf32, #tpu.memory_space<vmem_shared>> -> memref<640x128xf32, #tpu.memory_space<vmem_shared>>
      tpu.enqueue_dma source(%dma_start3A_15 : memref<640x128xf32, #tpu.memory_space<vmem_shared>>) target(%dma_start3A_13 : memref<640x128xf32, #tpu.memory_space<hbm>>) target_semaphore(%run_scoped3A : memref<!tpu.dma_semaphore, #tpu.memory_space<semaphore_mem>>)
      %dma_wait3A = arith.constant 0 : i32
      %dma_wait3A_16 = tpu.memref_slice %arg6[%arg0, %mul3A_11, %dma_wait3A] : memref<2x10240x128xf32, #tpu.memory_space<hbm>> -> memref<1x640x128xf32, #tpu.memory_space<hbm>>
      %dma_wait3A_17 = tpu.memref_squeeze %dma_wait3A_16 : memref<1x640x128xf32, #tpu.memory_space<hbm>> -> memref<640x128xf32, #tpu.memory_space<hbm>>
      %dma_wait3A_18 = arith.constant 0 : i32
      %dma_wait3A_19 = tpu.memref_slice %arg10[%mul3A_9, %dma_wait3A_18] : memref<10240x128xf32, #tpu.memory_space<vmem_shared>> -> memref<640x128xf32, #tpu.memory_space<vmem_shared>>
      tpu.wait_dma2 semaphore(%run_scoped3A : memref<!tpu.dma_semaphore, #tpu.memory_space<semaphore_mem>>) src(%dma_wait3A_19 : memref<640x128xf32, #tpu.memory_space<vmem_shared>>) dst(%dma_wait3A_17 : memref<640x128xf32, #tpu.memory_space<hbm>>)
      tpu.yield
    }) : () -> ()
    return
  }
}

module attributes {stable_mosaic.version = 14 : i64} {
  func.func @_final_body(%arg0: i32, %arg1: memref<1000x128xf32, #tpu.memory_space<vmem>>, %arg2: memref<2x1000x128xf32, #tpu.memory_space<vmem>>, %arg3: memref<128x128xf32, #tpu.memory_space<vmem>>, %arg4: memref<1x128xf32, #tpu.memory_space<vmem>>, %arg5: memref<128x128xf32, #tpu.memory_space<vmem>>, %arg6: memref<1x128xf32, #tpu.memory_space<vmem>>, %arg7: memref<1000x64xf32, #tpu.memory_space<vmem>>, %arg8: memref<128x128xf32, #tpu.memory_space<vmem>>, %arg9: memref<1x128xf32, #tpu.memory_space<vmem>>, %arg10: memref<128x10xf32, #tpu.memory_space<vmem>>, %arg11: memref<1x10xf32, #tpu.memory_space<vmem>>, %arg12: memref<64x128xf32, #tpu.memory_space<vmem>>, %arg13: memref<64x10xf32, #tpu.memory_space<vmem>>, %arg14: memref<64x128xf32, #tpu.memory_space<vmem>>, %arg15: memref<64x1xf32, #tpu.memory_space<vmem>>) attributes {dimension_semantics = [#tpu.dimension_semantics<arbitrary>], iteration_bounds = array<i64: 10>, scalar_prefetch = 0 : i64, scratch_operands = 2 : i64, tpu.core_type = #tpu.core_type<tc>, window_params = [{transform_indices = @transform_0, window_bounds = array<i64: 1000, 128>}, {transform_indices = @transform_1, window_bounds = array<i64: 2, 1000, 128>}, {pipeline_mode = #tpu.pipeline_mode<synchronous>, transform_indices = @transform_2, window_bounds = array<i64: 128, 128>}, {pipeline_mode = #tpu.pipeline_mode<synchronous>, transform_indices = @transform_3, window_bounds = array<i64: 1, 128>}, {pipeline_mode = #tpu.pipeline_mode<synchronous>, transform_indices = @transform_4, window_bounds = array<i64: 128, 128>}, {pipeline_mode = #tpu.pipeline_mode<synchronous>, transform_indices = @transform_5, window_bounds = array<i64: 1, 128>}, {transform_indices = @transform_6, window_bounds = array<i64: 1000, 64>}, {pipeline_mode = #tpu.pipeline_mode<synchronous>, transform_indices = @transform_7, window_bounds = array<i64: 128, 128>}, {pipeline_mode = #tpu.pipeline_mode<synchronous>, transform_indices = @transform_8, window_bounds = array<i64: 1, 128>}, {pipeline_mode = #tpu.pipeline_mode<synchronous>, transform_indices = @transform_9, window_bounds = array<i64: 128, 10>}, {pipeline_mode = #tpu.pipeline_mode<synchronous>, transform_indices = @transform_10, window_bounds = array<i64: 1, 10>}, {pipeline_mode = #tpu.pipeline_mode<synchronous>, transform_indices = @transform_11, window_bounds = array<i64: 64, 128>}, {pipeline_mode = #tpu.pipeline_mode<synchronous>, transform_indices = @transform_12, window_bounds = array<i64: 64, 10>}]} {
    %eq3A = arith.constant 0 : i32
    %eq3A_0 = arith.cmpi eq, %arg0, %eq3A : i32
    %convert_element_type3A = arith.extui %eq3A_0 : i1 to i32
    %cond3A = arith.constant 0 : i32
    %cond3A_1 = arith.cmpi ne, %convert_element_type3A, %cond3A : i32
    scf.if %cond3A_1 {
      %broadcast_in_dim3A_65 = arith.constant 0.000000e+00 : f32
      %broadcast_in_dim3A_66 = vector.broadcast %broadcast_in_dim3A_65 : f32 to vector<64x128xf32>
      %swap3A_67 = arith.constant 0 : index
      %swap3A_68 = arith.constant 0 : index
      %swap3A_69 = vector.load %arg14[%swap3A_67, %swap3A_68] : memref<64x128xf32, #tpu.memory_space<vmem>>, vector<64x128xf32>
      tpu.vector_store %arg14[%swap3A_67, %swap3A_68], %broadcast_in_dim3A_66 {strides = array<i32>} : memref<64x128xf32, #tpu.memory_space<vmem>>, vector<64x128xf32>,
      %broadcast_in_dim3A_70 = arith.constant 0.000000e+00 : f32
      %broadcast_in_dim3A_71 = vector.broadcast %broadcast_in_dim3A_70 : f32 to vector<64x1xf32>
      %swap3A_72 = arith.constant 0 : index
      %swap3A_73 = arith.constant 0 : index
      %swap3A_74 = vector.load %arg15[%swap3A_72, %swap3A_73] : memref<64x1xf32, #tpu.memory_space<vmem>>, vector<64x1xf32>
      tpu.vector_store %arg15[%swap3A_72, %swap3A_73], %broadcast_in_dim3A_71 {strides = array<i32>} : memref<64x1xf32, #tpu.memory_space<vmem>>, vector<64x1xf32>,
    } else {
    }
    %get3A = arith.constant 0 : index
    %get3A_2 = arith.constant 0 : index
    %get3A_3 = vector.load %arg1[%get3A, %get3A_2] : memref<1000x128xf32, #tpu.memory_space<vmem>>, vector<1000x128xf32>
    %get3A_4 = arith.constant 0 : index
    %get3A_5 = arith.constant 0 : index
    %get3A_6 = arith.constant 0 : index
    %get3A_7 = vector.load %arg2[%get3A_4, %get3A_5, %get3A_6] : memref<2x1000x128xf32, #tpu.memory_space<vmem>>, vector<1x1000x128xf32>
    %get3A_8 = vector.shape_cast %get3A_7 : vector<1x1000x128xf32> to vector<1000x128xf32>
    %add3A = arith.addf %get3A_3, %get3A_8 : vector<1000x128xf32>
    %get3A_9 = arith.constant 1 : index
    %get3A_10 = arith.constant 0 : index
    %get3A_11 = arith.constant 0 : index
    %get3A_12 = vector.load %arg2[%get3A_9, %get3A_10, %get3A_11] : memref<2x1000x128xf32, #tpu.memory_space<vmem>>, vector<1x1000x128xf32>
    %get3A_13 = vector.shape_cast %get3A_12 : vector<1x1000x128xf32> to vector<1000x128xf32>
    %add3A_14 = arith.addf %add3A, %get3A_13 : vector<1000x128xf32>
    %get3A_15 = arith.constant 0 : index
    %get3A_16 = arith.constant 0 : index
    %get3A_17 = vector.load %arg3[%get3A_15, %get3A_16] : memref<128x128xf32, #tpu.memory_space<vmem>>, vector<128x128xf32>
    %dot_general3A = arith.constant dense<0.000000e+00> : vector<1000x128xf32>
    %dot_general3A_18 = tpu.matmul %add3A_14, %get3A_17, %dot_general3A {dimension_numbers = #tpu.dot_dimension_numbers<[1], [0], [0], [1], [0, 0, 1, 1], [], []>, transpose_lhs_hint = false} : vector<1000x128xf32>, vector<128x128xf32>, vector<1000x128xf32> -> vector<1000x128xf32>
    %get3A_19 = arith.constant 0 : index
    %get3A_20 = arith.constant 0 : index
    %get3A_21 = vector.load %arg4[%get3A_19, %get3A_20] : memref<1x128xf32, #tpu.memory_space<vmem>>, vector<1x128xf32>
    %add3A_22 = vector.broadcast %get3A_21 : vector<1x128xf32> to vector<1000x128xf32>
    %add3A_23 = arith.addf %dot_general3A_18, %add3A_22 : vector<1000x128xf32>
    %max3A = arith.constant 0.000000e+00 : f32
    %max3A_24 = vector.broadcast %max3A : f32 to vector<1000x128xf32>
    %max3A_25 = arith.maximumf %add3A_23, %max3A_24 : vector<1000x128xf32>
    %get3A_26 = arith.constant 0 : index
    %get3A_27 = arith.constant 0 : index
    %get3A_28 = vector.load %arg5[%get3A_26, %get3A_27] : memref<128x128xf32, #tpu.memory_space<vmem>>, vector<128x128xf32>
    %dot_general3A_29 = arith.constant dense<0.000000e+00> : vector<1000x128xf32>
    %dot_general3A_30 = tpu.matmul %max3A_25, %get3A_28, %dot_general3A_29 {dimension_numbers = #tpu.dot_dimension_numbers<[1], [0], [0], [1], [0, 0, 1, 1], [], []>, transpose_lhs_hint = false} : vector<1000x128xf32>, vector<128x128xf32>, vector<1000x128xf32> -> vector<1000x128xf32>
    %get3A_31 = arith.constant 0 : index
    %get3A_32 = arith.constant 0 : index
    %get3A_33 = vector.load %arg6[%get3A_31, %get3A_32] : memref<1x128xf32, #tpu.memory_space<vmem>>, vector<1x128xf32>
    %add3A_34 = vector.broadcast %get3A_33 : vector<1x128xf32> to vector<1000x128xf32>
    %add3A_35 = arith.addf %dot_general3A_30, %add3A_34 : vector<1000x128xf32>
    %max3A_36 = arith.constant 0.000000e+00 : f32
    %max3A_37 = vector.broadcast %max3A_36 : f32 to vector<1000x128xf32>
    %max3A_38 = arith.maximumf %add3A_35, %max3A_37 : vector<1000x128xf32>
    %get3A_39 = arith.constant 0 : index
    %get3A_40 = arith.constant 0 : index
    %get3A_41 = vector.load %arg7[%get3A_39, %get3A_40] : memref<1000x64xf32, #tpu.memory_space<vmem>>, vector<1000x64xf32>
    %get3A_42 = arith.constant 0 : index
    %get3A_43 = arith.constant 0 : index
    %get3A_44 = vector.load %arg14[%get3A_42, %get3A_43] : memref<64x128xf32, #tpu.memory_space<vmem>>, vector<64x128xf32>
    %dot_general3A_45 = arith.constant dense<0.000000e+00> : vector<64x128xf32>
    %dot_general3A_46 = tpu.matmul %get3A_41, %max3A_38, %dot_general3A_45 {dimension_numbers = #tpu.dot_dimension_numbers<[0], [0], [1], [1], [0, 1, 1, 1], [], []>, precision = #tpu.contract_precision<fp32>, transpose_lhs_hint = false} : vector<1000x64xf32>, vector<1000x128xf32>, vector<64x128xf32> -> vector<64x128xf32>
    %add3A_47 = arith.addf %get3A_44, %dot_general3A_46 : vector<64x128xf32>
    %swap3A = arith.constant 0 : index
    %swap3A_48 = arith.constant 0 : index
    %swap3A_49 = vector.load %arg14[%swap3A, %swap3A_48] : memref<64x128xf32, #tpu.memory_space<vmem>>, vector<64x128xf32>
    tpu.vector_store %arg14[%swap3A, %swap3A_48], %add3A_47 {strides = array<i32>} : memref<64x128xf32, #tpu.memory_space<vmem>>, vector<64x128xf32>,
    %broadcast_in_dim3A = arith.constant 1.000000e+00 : f32
    %broadcast_in_dim3A_50 = vector.broadcast %broadcast_in_dim3A : f32 to vector<1000x1xf32>
    %get3A_51 = arith.constant 0 : index
    %get3A_52 = arith.constant 0 : index
    %get3A_53 = vector.load %arg15[%get3A_51, %get3A_52] : memref<64x1xf32, #tpu.memory_space<vmem>>, vector<64x1xf32>
    %dot_general3A_54 = arith.constant dense<0.000000e+00> : vector<64x1xf32>
    %dot_general3A_55 = tpu.matmul %get3A_41, %broadcast_in_dim3A_50, %dot_general3A_54 {dimension_numbers = #tpu.dot_dimension_numbers<[0], [0], [1], [1], [0, 1, 1, 1], [], []>, precision = #tpu.contract_precision<fp32>, transpose_lhs_hint = false} : vector<1000x64xf32>, vector<1000x1xf32>, vector<64x1xf32> -> vector<64x1xf32>
    %add3A_56 = arith.addf %get3A_53, %dot_general3A_55 : vector<64x1xf32>
    %swap3A_57 = arith.constant 0 : index
    %swap3A_58 = arith.constant 0 : index
    %swap3A_59 = vector.load %arg15[%swap3A_57, %swap3A_58] : memref<64x1xf32, #tpu.memory_space<vmem>>, vector<64x1xf32>
    tpu.vector_store %arg15[%swap3A_57, %swap3A_58], %add3A_56 {strides = array<i32>} : memref<64x1xf32, #tpu.memory_space<vmem>>, vector<64x1xf32>,
    %eq3A_60 = arith.constant 9 : i32
    %eq3A_61 = arith.cmpi eq, %arg0, %eq3A_60 : i32
    %convert_element_type3A_62 = arith.extui %eq3A_61 : i1 to i32
    %cond3A_63 = arith.constant 0 : i32
    %cond3A_64 = arith.cmpi ne, %convert_element_type3A_62, %cond3A_63 : i32
    scf.if %cond3A_64 {
      %get3A_65 = arith.constant 0 : index
      %get3A_66 = arith.constant 0 : index
      %get3A_67 = vector.load %arg14[%get3A_65, %get3A_66] : memref<64x128xf32, #tpu.memory_space<vmem>>, vector<64x128xf32>
      %get3A_68 = arith.constant 0 : index
      %get3A_69 = arith.constant 0 : index
      %get3A_70 = vector.load %arg15[%get3A_68, %get3A_69] : memref<64x1xf32, #tpu.memory_space<vmem>>, vector<64x1xf32>
      %max3A_71 = arith.constant 1.000000e+00 : f32
      %max3A_72 = vector.broadcast %max3A_71 : f32 to vector<64x1xf32>
      %max3A_73 = arith.maximumf %get3A_70, %max3A_72 : vector<64x1xf32>
      %div3A = vector.broadcast %max3A_73 : vector<64x1xf32> to vector<64x128xf32>
      %div3A_74 = arith.divf %get3A_67, %div3A : vector<64x128xf32>
      %get3A_75 = arith.constant 0 : index
      %get3A_76 = arith.constant 0 : index
      %get3A_77 = vector.load %arg8[%get3A_75, %get3A_76] : memref<128x128xf32, #tpu.memory_space<vmem>>, vector<128x128xf32>
      %dot_general3A_78 = arith.constant dense<0.000000e+00> : vector<64x128xf32>
      %dot_general3A_79 = tpu.matmul %div3A_74, %get3A_77, %dot_general3A_78 {dimension_numbers = #tpu.dot_dimension_numbers<[1], [0], [0], [1], [0, 0, 1, 1], [], []>, transpose_lhs_hint = false} : vector<64x128xf32>, vector<128x128xf32>, vector<64x128xf32> -> vector<64x128xf32>
      %get3A_80 = arith.constant 0 : index
      %get3A_81 = arith.constant 0 : index
      %get3A_82 = vector.load %arg9[%get3A_80, %get3A_81] : memref<1x128xf32, #tpu.memory_space<vmem>>, vector<1x128xf32>
      %add3A_83 = vector.broadcast %get3A_82 : vector<1x128xf32> to vector<64x128xf32>
      %add3A_84 = arith.addf %dot_general3A_79, %add3A_83 : vector<64x128xf32>
      %get3A_85 = arith.constant 0 : index
      %get3A_86 = arith.constant 0 : index
      %get3A_87 = vector.load %arg10[%get3A_85, %get3A_86] : memref<128x10xf32, #tpu.memory_space<vmem>>, vector<128x10xf32>
      %dot_general3A_88 = arith.constant dense<0.000000e+00> : vector<64x10xf32>
      %dot_general3A_89 = tpu.matmul %add3A_84, %get3A_87, %dot_general3A_88 {dimension_numbers = #tpu.dot_dimension_numbers<[1], [0], [0], [1], [0, 0, 1, 1], [], []>, transpose_lhs_hint = false} : vector<64x128xf32>, vector<128x10xf32>, vector<64x10xf32> -> vector<64x10xf32>
      %get3A_90 = arith.constant 0 : index
      %get3A_91 = arith.constant 0 : index
      %get3A_92 = vector.load %arg11[%get3A_90, %get3A_91] : memref<1x10xf32, #tpu.memory_space<vmem>>, vector<1x10xf32>
      %add3A_93 = vector.broadcast %get3A_92 : vector<1x10xf32> to vector<64x10xf32>
      %add3A_94 = arith.addf %dot_general3A_89, %add3A_93 : vector<64x10xf32>
      %swap3A_95 = arith.constant 0 : index
      %swap3A_96 = arith.constant 0 : index
      %swap3A_97 = vector.load %arg12[%swap3A_95, %swap3A_96] : memref<64x128xf32, #tpu.memory_space<vmem>>, vector<64x128xf32>
      tpu.vector_store %arg12[%swap3A_95, %swap3A_96], %add3A_84 {strides = array<i32>} : memref<64x128xf32, #tpu.memory_space<vmem>>, vector<64x128xf32>,
      %swap3A_98 = arith.constant 0 : index
      %swap3A_99 = arith.constant 0 : index
      %swap3A_100 = vector.load %arg13[%swap3A_98, %swap3A_99] : memref<64x10xf32, #tpu.memory_space<vmem>>, vector<64x10xf32>
      tpu.vector_store %arg13[%swap3A_98, %swap3A_99], %add3A_94 {strides = array<i32>} : memref<64x10xf32, #tpu.memory_space<vmem>>, vector<64x10xf32>,
    } else {
    }
    return
  }
  func.func @transform_0(%arg0: i32) -> (i32, i32) {
    %c0_i32 = arith.constant 0 : i32
    %c0_i32_0 = arith.constant 0 : i32
    return %arg0, %c0_i32 : i32, i32
  }
  func.func @transform_1(%arg0: i32) -> (i32, i32, i32) {
    %c0_i32 = arith.constant 0 : i32
    %c0_i32_0 = arith.constant 0 : i32
    %c0_i32_1 = arith.constant 0 : i32
    return %c0_i32, %arg0, %c0_i32_0 : i32, i32, i32
  }
  func.func @transform_2(%arg0: i32) -> (i32, i32) {
    %c0_i32 = arith.constant 0 : i32
    %c0_i32_0 = arith.constant 0 : i32
    %c0_i32_1 = arith.constant 0 : i32
    return %c0_i32, %c0_i32_0 : i32, i32
  }
  func.func @transform_3(%arg0: i32) -> (i32, i32) {
    %c0_i32 = arith.constant 0 : i32
    %c0_i32_0 = arith.constant 0 : i32
    %c0_i32_1 = arith.constant 0 : i32
    return %c0_i32, %c0_i32_0 : i32, i32
  }
  func.func @transform_4(%arg0: i32) -> (i32, i32) {
    %c0_i32 = arith.constant 0 : i32
    %c0_i32_0 = arith.constant 0 : i32
    %c0_i32_1 = arith.constant 0 : i32
    return %c0_i32, %c0_i32_0 : i32, i32
  }
  func.func @transform_5(%arg0: i32) -> (i32, i32) {
    %c0_i32 = arith.constant 0 : i32
    %c0_i32_0 = arith.constant 0 : i32
    %c0_i32_1 = arith.constant 0 : i32
    return %c0_i32, %c0_i32_0 : i32, i32
  }
  func.func @transform_6(%arg0: i32) -> (i32, i32) {
    %c0_i32 = arith.constant 0 : i32
    %c0_i32_0 = arith.constant 0 : i32
    return %arg0, %c0_i32 : i32, i32
  }
  func.func @transform_7(%arg0: i32) -> (i32, i32) {
    %c0_i32 = arith.constant 0 : i32
    %c0_i32_0 = arith.constant 0 : i32
    %c0_i32_1 = arith.constant 0 : i32
    return %c0_i32, %c0_i32_0 : i32, i32
  }
  func.func @transform_8(%arg0: i32) -> (i32, i32) {
    %c0_i32 = arith.constant 0 : i32
    %c0_i32_0 = arith.constant 0 : i32
    %c0_i32_1 = arith.constant 0 : i32
    return %c0_i32, %c0_i32_0 : i32, i32
  }
  func.func @transform_9(%arg0: i32) -> (i32, i32) {
    %c0_i32 = arith.constant 0 : i32
    %c0_i32_0 = arith.constant 0 : i32
    %c0_i32_1 = arith.constant 0 : i32
    return %c0_i32, %c0_i32_0 : i32, i32
  }
  func.func @transform_10(%arg0: i32) -> (i32, i32) {
    %c0_i32 = arith.constant 0 : i32
    %c0_i32_0 = arith.constant 0 : i32
    %c0_i32_1 = arith.constant 0 : i32
    return %c0_i32, %c0_i32_0 : i32, i32
  }
  func.func @transform_11(%arg0: i32) -> (i32, i32) {
    %c0_i32 = arith.constant 0 : i32
    %c0_i32_0 = arith.constant 0 : i32
    %c0_i32_1 = arith.constant 0 : i32
    return %c0_i32, %c0_i32_0 : i32, i32
  }
  func.func @transform_12(%arg0: i32) -> (i32, i32) {
    %c0_i32 = arith.constant 0 : i32
    %c0_i32_0 = arith.constant 0 : i32
    %c0_i32_1 = arith.constant 0 : i32
    return %c0_i32, %c0_i32_0 : i32, i32
  }
}

module attributes {stable_mosaic.version = 14 : i64} {
  func.func @_mlp_body(%arg0: i32, %arg1: memref<1000x128xf32, #tpu.memory_space<vmem>>, %arg2: memref<2x1000x128xf32, #tpu.memory_space<vmem>>, %arg3: memref<128x128xf32, #tpu.memory_space<vmem>>, %arg4: memref<1x128xf32, #tpu.memory_space<vmem>>, %arg5: memref<128x128xf32, #tpu.memory_space<vmem>>, %arg6: memref<1x128xf32, #tpu.memory_space<vmem>>, %arg7: memref<1000x128xf32, #tpu.memory_space<vmem>>) attributes {dimension_semantics = [#tpu.dimension_semantics<arbitrary>], iteration_bounds = array<i64: 10>, scalar_prefetch = 0 : i64, scratch_operands = 0 : i64, tpu.core_type = #tpu.core_type<tc>, window_params = [{transform_indices = @transform_0, window_bounds = array<i64: 1000, 128>}, {transform_indices = @transform_1, window_bounds = array<i64: 2, 1000, 128>}, {pipeline_mode = #tpu.pipeline_mode<synchronous>, transform_indices = @transform_2, window_bounds = array<i64: 128, 128>}, {pipeline_mode = #tpu.pipeline_mode<synchronous>, transform_indices = @transform_3, window_bounds = array<i64: 1, 128>}, {pipeline_mode = #tpu.pipeline_mode<synchronous>, transform_indices = @transform_4, window_bounds = array<i64: 128, 128>}, {pipeline_mode = #tpu.pipeline_mode<synchronous>, transform_indices = @transform_5, window_bounds = array<i64: 1, 128>}, {transform_indices = @transform_6, window_bounds = array<i64: 1000, 128>}]} {
    %get3A = arith.constant 0 : index
    %get3A_0 = arith.constant 0 : index
    %get3A_1 = vector.load %arg1[%get3A, %get3A_0] : memref<1000x128xf32, #tpu.memory_space<vmem>>, vector<1000x128xf32>
    %get3A_2 = arith.constant 0 : index
    %get3A_3 = arith.constant 0 : index
    %get3A_4 = arith.constant 0 : index
    %get3A_5 = vector.load %arg2[%get3A_2, %get3A_3, %get3A_4] : memref<2x1000x128xf32, #tpu.memory_space<vmem>>, vector<1x1000x128xf32>
    %get3A_6 = vector.shape_cast %get3A_5 : vector<1x1000x128xf32> to vector<1000x128xf32>
    %add3A = arith.addf %get3A_1, %get3A_6 : vector<1000x128xf32>
    %get3A_7 = arith.constant 1 : index
    %get3A_8 = arith.constant 0 : index
    %get3A_9 = arith.constant 0 : index
    %get3A_10 = vector.load %arg2[%get3A_7, %get3A_8, %get3A_9] : memref<2x1000x128xf32, #tpu.memory_space<vmem>>, vector<1x1000x128xf32>
    %get3A_11 = vector.shape_cast %get3A_10 : vector<1x1000x128xf32> to vector<1000x128xf32>
    %add3A_12 = arith.addf %add3A, %get3A_11 : vector<1000x128xf32>
    %get3A_13 = arith.constant 0 : index
    %get3A_14 = arith.constant 0 : index
    %get3A_15 = vector.load %arg3[%get3A_13, %get3A_14] : memref<128x128xf32, #tpu.memory_space<vmem>>, vector<128x128xf32>
    %dot_general3A = arith.constant dense<0.000000e+00> : vector<1000x128xf32>
    %dot_general3A_16 = tpu.matmul %add3A_12, %get3A_15, %dot_general3A {dimension_numbers = #tpu.dot_dimension_numbers<[1], [0], [0], [1], [0, 0, 1, 1], [], []>, transpose_lhs_hint = false} : vector<1000x128xf32>, vector<128x128xf32>, vector<1000x128xf32> -> vector<1000x128xf32>
    %get3A_17 = arith.constant 0 : index
    %get3A_18 = arith.constant 0 : index
    %get3A_19 = vector.load %arg4[%get3A_17, %get3A_18] : memref<1x128xf32, #tpu.memory_space<vmem>>, vector<1x128xf32>
    %add3A_20 = vector.broadcast %get3A_19 : vector<1x128xf32> to vector<1000x128xf32>
    %add3A_21 = arith.addf %dot_general3A_16, %add3A_20 : vector<1000x128xf32>
    %max3A = arith.constant 0.000000e+00 : f32
    %max3A_22 = vector.broadcast %max3A : f32 to vector<1000x128xf32>
    %max3A_23 = arith.maximumf %add3A_21, %max3A_22 : vector<1000x128xf32>
    %get3A_24 = arith.constant 0 : index
    %get3A_25 = arith.constant 0 : index
    %get3A_26 = vector.load %arg5[%get3A_24, %get3A_25] : memref<128x128xf32, #tpu.memory_space<vmem>>, vector<128x128xf32>
    %dot_general3A_27 = arith.constant dense<0.000000e+00> : vector<1000x128xf32>
    %dot_general3A_28 = tpu.matmul %max3A_23, %get3A_26, %dot_general3A_27 {dimension_numbers = #tpu.dot_dimension_numbers<[1], [0], [0], [1], [0, 0, 1, 1], [], []>, transpose_lhs_hint = false} : vector<1000x128xf32>, vector<128x128xf32>, vector<1000x128xf32> -> vector<1000x128xf32>
    %get3A_29 = arith.constant 0 : index
    %get3A_30 = arith.constant 0 : index
    %get3A_31 = vector.load %arg6[%get3A_29, %get3A_30] : memref<1x128xf32, #tpu.memory_space<vmem>>, vector<1x128xf32>
    %add3A_32 = vector.broadcast %get3A_31 : vector<1x128xf32> to vector<1000x128xf32>
    %add3A_33 = arith.addf %dot_general3A_28, %add3A_32 : vector<1000x128xf32>
    %max3A_34 = arith.constant 0.000000e+00 : f32
    %max3A_35 = vector.broadcast %max3A_34 : f32 to vector<1000x128xf32>
    %max3A_36 = arith.maximumf %add3A_33, %max3A_35 : vector<1000x128xf32>
    %swap3A = arith.constant 0 : index
    %swap3A_37 = arith.constant 0 : index
    %swap3A_38 = vector.load %arg7[%swap3A, %swap3A_37] : memref<1000x128xf32, #tpu.memory_space<vmem>>, vector<1000x128xf32>
    tpu.vector_store %arg7[%swap3A, %swap3A_37], %max3A_36 {strides = array<i32>} : memref<1000x128xf32, #tpu.memory_space<vmem>>, vector<1000x128xf32>,
    return
  }
  func.func @transform_0(%arg0: i32) -> (i32, i32) {
    %c0_i32 = arith.constant 0 : i32
    %c0_i32_0 = arith.constant 0 : i32
    return %arg0, %c0_i32 : i32, i32
  }
  func.func @transform_1(%arg0: i32) -> (i32, i32, i32) {
    %c0_i32 = arith.constant 0 : i32
    %c0_i32_0 = arith.constant 0 : i32
    %c0_i32_1 = arith.constant 0 : i32
    return %c0_i32, %arg0, %c0_i32_0 : i32, i32, i32
  }
  func.func @transform_2(%arg0: i32) -> (i32, i32) {
    %c0_i32 = arith.constant 0 : i32
    %c0_i32_0 = arith.constant 0 : i32
    %c0_i32_1 = arith.constant 0 : i32
    return %c0_i32, %c0_i32_0 : i32, i32
  }
  func.func @transform_3(%arg0: i32) -> (i32, i32) {
    %c0_i32 = arith.constant 0 : i32
    %c0_i32_0 = arith.constant 0 : i32
    %c0_i32_1 = arith.constant 0 : i32
    return %c0_i32, %c0_i32_0 : i32, i32
  }
  func.func @transform_4(%arg0: i32) -> (i32, i32) {
    %c0_i32 = arith.constant 0 : i32
    %c0_i32_0 = arith.constant 0 : i32
    %c0_i32_1 = arith.constant 0 : i32
    return %c0_i32, %c0_i32_0 : i32, i32
  }
  func.func @transform_5(%arg0: i32) -> (i32, i32) {
    %c0_i32 = arith.constant 0 : i32
    %c0_i32_0 = arith.constant 0 : i32
    %c0_i32_1 = arith.constant 0 : i32
    return %c0_i32, %c0_i32_0 : i32, i32
  }
  func.func @transform_6(%arg0: i32) -> (i32, i32) {
    %c0_i32 = arith.constant 0 : i32
    %c0_i32_0 = arith.constant 0 : i32
    return %arg0, %c0_i32 : i32, i32
  }
}

</mosaic_0001>

<sc_bundles>
// kernel: kernel.12.cloned.1.call-start
scs
__scs_entry_jumppad:
0x0: {  	(pc) =	sbr.rel $0x88, $3  }
0x1: {  	(tag) =	ssettag $0x0;
	lr =	simm.s32 $0x1  }
0x2: {  	[smem:$0x3F96] =	sst lr;
	_ =	strace $0xD0000000  }
0x3: {  	_ = 	snop  }
0x4: {  	_ = 	snop  }
0x5: {  	_ = 	snop  }
0x6: {  	_ = 	snop  }
0x7: {  	_ = 	snop  }
__scs_overlays_trampoline_lowered:
0x8: {  	[smem:$0x3FA5] =	sst s0  }
0x9: {  	[smem:$0x3FA6] =	sst s1  }
0xa: {  	[smem:$0x3FA7] =	sst s2  }
0xb: {  	[smem:$0x3FA8] =	sst s3  }
0xc: {  	[smem:$0x3FA9] =	sst s4  }
0xd: {  	[smem:$0x3FAA] =	sst s5  }
0xe: {  	[smem:$0x3FAB] =	sst s6  }
0xf: {  	[smem:$0x3FAC] =	sst s7  }
0x10: {  	[smem:$0x3FAD] =	sst s8  }
0x11: {  	[smem:$0x3FAE] =	sst s9;
	s0 =	simm.s32 @!p0 $0x0  }
0x12: {  	s1 =	sld [smem:$0x3F94];
	s0 =	simm.s32 @p0 $0x1  }
0x13: {  	[smem:$0x3FAF] =	sst s0;
	s0 =	simm.s32 @!p1 $0x0  }
0x14: {  	s2 =	sld [smem:$0x3F93];
	s0 =	simm.s32 @p1 $0x1  }
0x15: {  	[smem:$0x3FB0] =	sst s0;
	s0 =	simm.s32 @!p2 $0x0  }
0x16: {  	s3 =	sld [smem:$0x3FDB];
	s0 =	simm.s32 @p2 $0x1  }
0x17: {  	s4 =	simm.s32 $0x1BF5;
	[smem:$0x3FB2] =	sst s0  }
0x18: {  	s0 =	sld [smem:$0x3F95];
	_ =	swait.ge [sflag:s4], $0x0  }
0x19: {  	s7 =	sld [smem:$0x3F96]  }
0x1a: {  	s8 =	sadd.s32 $0xFFFFE003, lr  }
0x1b: {  	s9 =	sadd.s32 $0xFFFFFEF7, lr;
	s5 =	simm.s32 $0xFFFFFFFF;
	p2 =	slt.u32 s8, $0xFFFFF086  }
0x1c: {  	p1 =	slt.u32 s9, $0xF7A;
	s5 =	simm.s32 @!p2 $0x0  }
0x1d: {  	s5 =	simm.s32 @p1 $0x1;
	p0 =	seq.s32 s7, s2  }
0x1e: {  	s7 =	smul.u32 @!p0 $0xF7A, s2;
	p2 =	seq.s32 @!p0 s5, $0x0  }
0x1f: {  	s9 =	smul.u32 $0xF7A, s1;
	s8 =	simm.s32 @!p0 $0x1BF5;
	p2 =	por !p2, p0  }
0x20: {  	[sflag:s8] =	ssyncset.s32 @!p0 $0xFFFFF086;
	s6 =	sadd.s32 @!p0 s3, s7;
	s7 =	simm.s32 @!p0 $0x108  }
0x21: {  	s3 =	sadd.s32 s3, s9;
	s6 =	sadd.s32 @!p0 $0x88, s6;
	s7 =	simm.s32 @p2 $0x1082  }
0x22: {  	[simem:s7], [sflag:s8] =	dma.local @!p0 [hbm:s6], $0xF7A  }
0x23: {  	s9 =	sor.u32 $0xD0000000, s2;
	s6 =	simm.s32 $0x108;
	_ =	swait.ge @!p0 [sflag:s8], $0x0  }
0x24: {  	s3 =	sadd.s32 $0x88, s3;
	s6 =	simm.s32 @!p1 $0x1082;
	[sflag:s4] =	ssyncset.s32 $0xFFFFF086  }
0x25: {  	[simem:s6], [sflag:s4] =	dma.local [hbm:s3], $0xF7A  }
0x26: {  	[smem:$0x3F96] =	sst s1;
	(tag) =	ssettag s2;
	_ =	strace s9  }
0x27: {  	s1 =	sld [smem:$0x3FA6]  }
0x28: {  	s2 =	sld [smem:$0x3FA7]  }
0x29: {  	s4 =	sld [smem:$0x3FA9]  }
0x2a: {  	p0 =	seq.s32 s5, $0x0;
	s5 =	sld [smem:$0x3FAA]  }
0x2b: {  	s6 =	sld [smem:$0x3FAB]  }
0x2c: {  	s7 =	sld [smem:$0x3FAC]  }
0x2d: {  	s3 =	simm.s32 $0x108;
	s8 =	sld [smem:$0x3FAD]  }
0x2e: {  	s3 =	simm.s32 @!p0 $0x1082;
	s9 =	sld [smem:$0x3FAE]  }
0x2f: {  	lr =	sadd.s32 s0, s3;
	s0 =	sld [smem:$0x3FA5]  }
0x30: {  	s3 =	sld [smem:$0x3FA8]  }
0x31: {  	[smem:$0x3FB1] =	sst s10  }
0x32: {  	s10 =	sld [smem:$0x3FAF];
	_ =	sdelay $0x3  }
0x33: {  	p0 =	seq.s32 s10, $0x1;
	s10 =	sld [smem:$0x3FB1];
	_ =	sdelay $0x3  }
0x34: {  	[smem:$0x3FB1] =	sst s10  }
0x35: {  	s10 =	sld [smem:$0x3FB0];
	_ =	sdelay $0x3  }
0x36: {  	p1 =	seq.s32 s10, $0x1;
	s10 =	sld [smem:$0x3FB1];
	_ =	sdelay $0x3  }
0x37: {  	[smem:$0x3FB1] =	sst s10  }
0x38: {  	s10 =	sld [smem:$0x3FB2]  }
0x39: {  	_ = 	snop;
	(pc) =	sbr.ind lr, $3  }
0x3a: {  	_ = 	snop  }
0x3b: {  	_ = 	snop  }
0x3c: {  	p2 =	seq.s32 s10, $0x1;
	s10 =	sld [smem:$0x3FB1]  }
0x3d: {  	_ =	shalt  }
0x3e: {  	_ =	shalt  }
0x3f: {  	_ =	shalt  }
0x40: {  	_ =	shalt  }
0x41: {  	_ =	shalt  }
0x42: {  	_ =	shalt  }
0x43: {  	_ =	shalt  }
0x44: {  	_ =	shalt  }
0x45: {  	_ =	shalt  }
0x46: {  	_ =	shalt  }
0x47: {  	_ =	shalt  }
0x48: {  	_ =	shalt  }
0x49: {  	_ =	shalt  }
0x4a: {  	_ =	shalt  }
0x4b: {  	_ =	shalt  }
0x4c: {  	_ =	shalt  }
0x4d: {  	_ =	shalt  }
0x4e: {  	_ =	shalt  }
0x4f: {  	_ =	shalt  }
0x50: {  	_ =	shalt  }
0x51: {  	_ =	shalt  }
0x52: {  	_ =	shalt  }
0x53: {  	_ =	shalt  }
0x54: {  	_ =	shalt  }
0x55: {  	_ =	shalt  }
0x56: {  	_ =	shalt  }
0x57: {  	_ =	shalt  }
0x58: {  	_ =	shalt  }
0x59: {  	_ =	shalt  }
0x5a: {  	_ =	shalt  }
0x5b: {  	_ =	shalt  }
0x5c: {  	_ =	shalt  }
0x5d: {  	_ =	shalt  }
0x5e: {  	_ =	shalt  }
0x5f: {  	_ =	shalt  }
0x60: {  	_ =	shalt  }
0x61: {  	_ =	shalt  }
0x62: {  	_ =	shalt  }
0x63: {  	_ =	shalt  }
0x64: {  	_ =	shalt  }
0x65: {  	_ =	shalt  }
0x66: {  	_ =	shalt  }
0x67: {  	_ =	shalt  }
0x68: {  	_ =	shalt  }
0x69: {  	_ =	shalt  }
0x6a: {  	_ =	shalt  }
0x6b: {  	_ =	shalt  }
0x6c: {  	_ =	shalt  }
0x6d: {  	_ =	shalt  }
0x6e: {  	_ =	shalt  }
0x6f: {  	_ =	shalt  }
0x70: {  	_ =	shalt  }
0x71: {  	_ =	shalt  }
0x72: {  	_ =	shalt  }
0x73: {  	_ =	shalt  }
0x74: {  	_ =	shalt  }
0x75: {  	_ =	shalt  }
0x76: {  	_ =	shalt  }
0x77: {  	_ =	shalt  }
0x78: {  	_ =	shalt  }
0x79: {  	_ =	shalt  }
0x7a: {  	_ =	shalt  }
0x7b: {  	_ =	shalt  }
0x7c: {  	_ =	shalt  }
0x7d: {  	_ =	shalt  }
0x7e: {  	_ =	shalt  }
0x7f: {  	_ =	shalt  }
0x80: {  	_ =	shalt  }
0x81: {  	_ =	shalt  }
0x82: {  	_ =	shalt  }
0x83: {  	_ =	shalt  }
0x84: {  	_ =	shalt  }
0x85: {  	_ =	shalt  }
0x86: {  	_ =	shalt  }
0x87: {  	_ =	shalt  }
.Lfunc_end0:
.L_simem_size_0:
called_computation_lowered:
.L_overlay_start_0:
0x88: {  	s2 =	sld [smem:$0x3FD9]  }
0x89: {  	s3 =	sld [smem:$0x3FFE];
	_ =	sdelay $0x1  }
0x8a: {  	s1 =	srdreg.scid  }
0x8b: {  	s0 =	sand.u32 $0x1, s1  }
0x8c: {  	s17 =	sshll.u32 s0, $0xA;
	s2 =	sadd.s32 s3, s2  }
0x8d: {  	s2 =	sadd.s32 s2, s17  }
0x8e: {  	[smem:$0x3FBD] =	sst s2  }
0x8f: {  	_ = 	snop  }
0x90: {  	s2 =	sld [smem:$0x3FC9];
	(tm) =	ssettm $0x1  }
0x91: {  	s18 =	sld [smem:$0x3FFB];
	_ =	sdelay $0x3  }
0x92: {  	_ =	strace s18  }
0x93: {  	s3 =	sld [smem:$0x3FFC];
	_ =	sdelay $0x3  }
0x94: {  	_ =	strace s3  }
0x95: {  	s3 =	sld [smem:$0x3FFD];
	_ =	sdelay $0x3  }
0x96: {  	_ =	strace s3  }
0x97: {  	_ =	strace $0x8FFFFFFF  }
0x98: {  	s19 =	sld [smem:$0x3FDB];
	_ =	sdelay $0x1  }
0x99: {  	s4 =	simm.s32 $_scs_section_size  }
0x9a: {  	s5 =	simm.s32 $_size__tile_overlayer_lowered;
	s6 =	simm.s32 $_tile_overlayer_lowered  }
0x9b: {  	s22 =	simm.s32 $0x1BFF;
	s21 =	sshll.u32 s6, $0x1;
	s3 =	sadd.s32 s4, s19  }
0x9c: {  	s7 =	simm.s32 $0x0;
	s20 =	sshll.u32 s5, $0x1;
	s5 =	sadd.s32 s21, s3  }
0x9d: {  	[timem:s7], [sflag:s22] =	dma.local [hbm:s5], s20  }
0x9e: {  	_ =	swait.ge [sflag:s22], s20  }
0x9f: {  	s4 =	ssub.s32 $0x0, s20;
	[sflag:s22] =	ssyncset.done $0x0  }
0xa0: {  	[sflag:s22] =	ssyncadd.s32 s4;
	_ =	sdelay $0x1  }
0xa1: {  	s23 =	simm.s32 $0x1B8B  }
0xa2: {  	_ =	swait.ge [sflag:s23], $0x1  }
0xa3: {  	[sflag:s23] =	ssyncset.done $0x0  }
0xa4: {  	s25 =	simm.s32 $0x1B8E;
	s24 =	sld [smem:$0x3FFE];
	[sflag:s23] =	ssyncadd.s32 $0xFFFFFFFF  }
0xa5: {  	s26 =	simm.s32 $execute0_lowered;
	[smem:$0x3FD2] =	sst s25  }
0xa6: {  	s5 =	sshll.u32 s26, $0x1;
	_ =	strace $0x80000046;
	[dreg:$0x1] =	wrdreg $0xFFFFFFFF  }
0xa7: {  	s28 =	simm.s32 $_size_execute0_lowered;
	s3 =	sadd.s32 s3, s5;
	[dreg:$0x0] =	wrdreg $0x0  }
0xa8: {  	s5 =	sshll.u32 s28, $0x1;
	[dreg:$0x2] =	wrdreg s3  }
0xa9: {  	[dreg:$0x3] =	wrdreg s5  }
0xaa: {  	[dreg:$0x4] =	wrdreg $0xC0  }
0xab: {  	_ =	task [dreg:s7], $0x5FFFF  }
0xac: {  	[dreg:$0x1] =	wrdreg $0xFFFFFFFF  }
0xad: {  	[dreg:$0x0] =	wrdreg $0x60  }
0xae: {  	[dreg:$0x2] =	wrdreg s2  }
0xaf: {  	[dreg:$0x3] =	wrdreg s24  }
0xb0: {  	[dreg:$0x4] =	wrdreg $0x90000  }
0xb1: {  	[dreg:$0x5] =	wrdreg $0x9  }
0xb2: {  	_ =	task.clear_ibuf [dreg:s7], $0x6FFFF;
	_ =	strace $0x90000046  }
0xb3: {  	s29 =	simm.s32 $0x9;
	_ =	strace $0x80000048  }
0xb4: {  	_ =	swait.ge [sflag:s29], $0x1  }
0xb5: {  	[sflag:s29] =	ssyncadd.s32 $0xFFFFFFFF  }
0xb6: {  	_ =	strace $0x90000048  }
0xb7: {  	_ =	sfence  }
0xb8: {  	s30 =	sld [smem:$0x0];
	_ =	sdelay $0x2  }
0xb9: {  	s31 =	sshll.u32 s1, $0xD;
	s1 =	sshrl.u32 s1, $0x2  }
0xba: {  	s3 =	sand.u32 $0x4000, s31;
	s1 =	sadd.s32 s1, s30  }
0xbb: {  	s0 =	sor.u32 s3, s0;
	s1 =	sshll.u32 s1, $0x11  }
0xbc: {  	s0 =	sor.u32 s1, s0  }
0xbd: {  	s0 =	sadd.s32 $0x8F2B, s0  }
0xbe: {  	[sflag:s0] =	ssyncadd.remote.s32 $0x1  }
0xbf: {  	_ =	sfence.sel $0xFFFF  }
0xc0: {  	[dreg:$0x0] =	wrdreg $0xFFFFFFFF;
	(pc) =	sbr.abs _section_cstart, $3  }
0xc1: {  	[dreg:$0x1] =	wrdreg $0xFFFFFFFF  }
0xc2: {  	_ =	task.clear_ibuf [dreg:s7], $0x2FFFF;
	_ =	strace $0x9FFFFFFF  }
0xc3: {  	(tm) =	ssettm $0x7FFFFFFF  }
tec
execute0_lowered:
.L_overlay_start_1:
0x0: {  	(tag) =	ssettag $0x1  }
0x1: {  	s1 =	rddreg [dreg:$0x0]  }
0x2: {  	s0 =	srdreg.scid;
	s7 =	rddreg [dreg:$0x1]  }
0x3: {  	s3 =	rddreg [dreg:$0x2];
	s4 =	simm.s32 $0x0;
	s14 =	simm.s32 $0x80  }
0x4: {  	s15 =	simm.s32 $0x5000;
	s16 =	simm.s32 $0x1;
	s6 =	sand.u32 $0x1, s0  }
0x5: {  	s17 =	simm.s32 $0x0;
	s0 =	stileid.u32;
	s8 =	smul.u32 $0x140000, s6  }
0x6: {  	[smem:$0x7FF] =	sst s4;
	s2 =	sshll.u32 s6, $0x4;
	s9 =	smul.u32 $0x14000, s0  }
0x7: {  	s28 =	smul.u32 $0x50000, s0;
	s6 =	ssub.s32 $0x2, s6;
	s2 =	sor.u32 s0, s2  }
0x8: {  	s31 =	sshll.u32 s0, $0x6;
	s29 =	sshrl.u32 s6, $0x1;
	s5 =	smul.u32 $0x500, s2  }
0x9: {  	s2 =	rddreg [dreg:$0x3];
	_ =	strace $0x80000047;
	s8 =	sadd.s32 s9, s8  }
0xa: {  	s30 =	sshrl.u32 s28, $0x2;
	s12 =	ssub.s32 s6, s29;
	s6 =	sor.u32 $0x1C02, s31  }
0xb: {  	s8 =	sshrl.u32 s8, $0x3;
	s13 =	sadd.s32 s30, s3;
	s10 =	sadd.s32 s5, s7  }
0xc: {  	s5 =	sadd.s32 $0x18600, s7;
	s11 =	sadd.s32 s8, s7;
	s7 =	sadd.s32 $0x4600, s10  }
0xd: {  	s8 =	sadd.s32 $0xE600, s10;
	s9 =	sadd.s32 $0x1AE00, s11;
	s10 =	smax.u32 s12, $0x1  }
0xe: {  	s11 =	sshrl.u32 s13, $0x3;
	s12 =	simm.s32 $0x2;
	s13 =	simm.s32 $0x2800  }
.LBB2_1:
0xf: {  	[spmem:s11], [sflag:s6] =	dma.local [hbm:s5], $0x2800  }
0x10: {  	_ =	swait.ge [sflag:s12], $0x2800  }
0x11: {  	[sflag:s12] =	ssyncset.done $0x0  }
0x12: {  	[sflag:s12] =	ssyncadd.s32 $0xFFFFD800  }
0x13: {  	[tilespmem:s4], [sflag:$0x2] =	stream.linear.gather [hbm4b:s7+s4], $0x2780, $0x38;
	[tilespmem:$0x1D000] =	vst v63  }
0x14: {  	_ =	swait.ge [sflag:s12], $0x2780  }
0x15: {  	[sflag:s12] =	ssyncset.done $0x0  }
0x16: {  	[sflag:s12] =	ssyncadd.s32 $0xFFFFD880  }
0x17: {  	[tilespmem:s13], [sflag:$0x2] =	stream.linear.gather [hbm4b:s8+s4], $0x2780, $0x38;
	[tilespmem:$0x1D000] =	vst v63  }
0x18: {  	_ =	swait.ge [sflag:s12], $0x2780  }
0x19: {  	[sflag:s12] =	ssyncset.done $0x0  }
0x1a: {  	[sflag:s12] =	ssyncadd.s32 $0xFFFFD880  }
0x1b: {  	s18 =	simm.s32 $0x0;
	[bflag:$0x0] =	sbarrier.arrive $0xFFFF  }
0x1c: {  	[tilespmem:s15], [sflag:$0x1] =	stream.indirect.gather [hbm4b:s1+s14], $0x80, s18, s14, $0xb8;
	[tilespmem:$0x1D000] =	vst v63  }
0x1d: {  	_ =	swait.ge [sflag:s16], $0x4000  }
0x1e: {  	[sflag:s16] =	ssyncset.done $0x0  }
0x1f: {  	s31 =	simm.s32 $0x2800;
	[sflag:s16] =	ssyncadd.s32 $0xFFFFC000  }
0x20: {  	[spmem:s3] =	stream.indirect.scatter.add.f32 [tilespmem:s15], [sflag:$0x2], $0x80, s31, s14, $0xb8;
	[tilespmem:$0x1D000] =	vst v63  }
0x21: {  	_ =	swait.ge [sflag:s12], $0x4000  }
0x22: {  	s19 =	simm.s32 $0x400;
	s18 =	simm.s32 $0x200;
	[sflag:s12] =	ssyncset.done $0x0  }
.LBB2_2:
0x23: {  	s20 =	sshra.s32 s18, $0x2  }
0x24: {  	[sflag:s12] =	ssyncadd.s32 $0xFFFFC000;
	s18 =	smov.u32 s19;
	s21 =	sadd.s32 $0x200, s19  }
0x25: {  	[tilespmem:s15], [sflag:$0x1] =	stream.indirect.gather [hbm4b:s1+s14], $0x80, s20, s14, $0xb8;
	[tilespmem:$0x1D000] =	vst v63  }
0x26: {  	p0 =	sne.s32 s19, $0x9C00;
	_ =	swait.ge [sflag:s16], $0x4000  }
.Ltmp0:
0x27: {  	[sflag:s16] =	ssyncset.done $0x0;
	(pc) =	sbr.rel @p0 .LBB2_2-.Ltmp0, $4  }
0x28: {  	s19 =	sadd.s32 $0x2800, s20;
	[sflag:s16] =	ssyncadd.s32 $0xFFFFC000  }
0x29: {  	[spmem:s3] =	stream.indirect.scatter.add.f32 [tilespmem:s15], [sflag:$0x2], $0x80, s19, s14, $0xb8;
	[tilespmem:$0x1D000] =	vst v63  }
0x2a: {  	_ =	swait.ge [sflag:s12], $0x4000  }
0x2b: {  	s19 =	smov.u32 s21;
	[sflag:s12] =	ssyncset.done $0x0  }
0x2c: {  	s18 =	sshra.s32 s18, $0x2;
	[sflag:s12] =	ssyncadd.s32 $0xFFFFC000  }
0x2d: {  	[tilespmem:s15], [sflag:$0x1] =	stream.indirect.gather [hbm4b:s1+s14], $0x80, s18, s14, $0xb8;
	[tilespmem:$0x1D000] =	vst v63  }
0x2e: {  	_ =	swait.ge [sflag:s16], $0x4000  }
0x2f: {  	[sflag:s16] =	ssyncset.done $0x0  }
0x30: {  	s18 =	sadd.s32 $0x2800, s18;
	[sflag:s16] =	ssyncadd.s32 $0xFFFFC000  }
0x31: {  	[spmem:s3] =	stream.indirect.scatter.add.f32 [tilespmem:s15], [sflag:$0x2], $0x80, s18, s14, $0xb8;
	[tilespmem:$0x1D000] =	vst v63  }
0x32: {  	_ =	swait.ge [sflag:s12], $0x4000  }
0x33: {  	s17 =	sadd.s32 $0x1, s17;
	[sflag:s12] =	ssyncset.done $0x0  }
0x34: {  	p0 =	sne.s32 s17, s10;
	[sflag:s12] =	ssyncadd.s32 $0xFFFFC000  }
.Ltmp1:
0x35: {  	[bflag:$0x0] =	sbarrier.arrive $0xFFFF;
	(pc) =	sbr.rel @p0 .LBB2_1-.Ltmp1, $4  }
0x36: {  	[hbm:s9], [sflag:s6] =	dma.local [spmem:s11], $0x2800  }
0x37: {  	_ =	swait.ge [sflag:s12], $0x2800  }
0x38: {  	[sflag:s12] =	ssyncset.done $0x0  }
0x39: {  	[sflag:s12] =	ssyncadd.s32 $0xFFFFD800  }
0x3a: {  	_ =	sfence.sel $0x180000  }
0x3b: {  	[bflag:$0x0] =	sbarrier.arrive $0xFFFF  }
0x3c: {  	p0 =	sne.s32 s0, $0x0;
	_ =	strace $0x90000047  }
0x3d: {  	s0 =	sadd.s32 @!p0 $0x100000, s2;
	[bflag:$0x2] =	sbarrier.arrive $0xFFFF  }
0x3e: {  	[sflag:s0] =	ssyncadd.tile.s32 @!p0 $0x1;
	_ =	shalt  }
.Lfunc_end2:
_tile_overlayer_lowered:
.L_overlay_start_2:
0x3f: {  	(tag) =	ssettag $0x2  }
0x40: {  	s0 =	rddreg [dreg:$0x0];
	s2 =	stileid.u32  }
0x41: {  	s1 =	rddreg [dreg:$0x1];
	p0 =	sne.s32 s2, $0x0  }
0x42: {  	s3 =	rddreg [dreg:$0x2];
	[bflag:$0x3] =	sbarrier.arrive $0xFFFF;
	s2 =	simm.s32 @!p0 $0x1C02  }
0x43: {  	[timem:s3], [sflag:s2] =	dma.local @!p0 [hbm:s0], s1  }
0x44: {  	s0 =	simm.s32 @!p0 $0x2  }
0x45: {  	_ =	swait.ge @!p0 [sflag:s0], s1  }
0x46: {  	s1 =	ssub.s32 @!p0 $0x0, s1;
	[sflag:s0] =	ssyncset.done @!p0 $0x0  }
0x47: {  	[sflag:s0] =	ssyncadd.s32 @!p0 s1  }
0x48: {  	[bflag:$0x3] =	sbarrier.arrive $0xFFFF  }
0x49: {  	_ =	shalt  }

// kernel: kernel.15.cloned.1.call-start
scs
__scs_entry_jumppad:
0x0: {  	(pc) =	sbr.rel $0x88, $3  }
0x1: {  	(tag) =	ssettag $0x0;
	lr =	simm.s32 $0x1  }
0x2: {  	[smem:$0x3F96] =	sst lr;
	_ =	strace $0xD0000000  }
0x3: {  	_ = 	snop  }
0x4: {  	_ = 	snop  }
0x5: {  	_ = 	snop  }
0x6: {  	_ = 	snop  }
0x7: {  	_ = 	snop  }
__scs_overlays_trampoline_lowered:
0x8: {  	[smem:$0x3FA5] =	sst s0  }
0x9: {  	[smem:$0x3FA6] =	sst s1  }
0xa: {  	[smem:$0x3FA7] =	sst s2  }
0xb: {  	[smem:$0x3FA8] =	sst s3  }
0xc: {  	[smem:$0x3FA9] =	sst s4  }
0xd: {  	[smem:$0x3FAA] =	sst s5  }
0xe: {  	[smem:$0x3FAB] =	sst s6  }
0xf: {  	[smem:$0x3FAC] =	sst s7  }
0x10: {  	[smem:$0x3FAD] =	sst s8  }
0x11: {  	[smem:$0x3FAE] =	sst s9;
	s0 =	simm.s32 @!p0 $0x0  }
0x12: {  	s1 =	sld [smem:$0x3F94];
	s0 =	simm.s32 @p0 $0x1  }
0x13: {  	[smem:$0x3FAF] =	sst s0;
	s0 =	simm.s32 @!p1 $0x0  }
0x14: {  	s2 =	sld [smem:$0x3F93];
	s0 =	simm.s32 @p1 $0x1  }
0x15: {  	[smem:$0x3FB0] =	sst s0;
	s0 =	simm.s32 @!p2 $0x0  }
0x16: {  	s3 =	sld [smem:$0x3FDB];
	s0 =	simm.s32 @p2 $0x1  }
0x17: {  	s4 =	simm.s32 $0x1BF5;
	[smem:$0x3FB2] =	sst s0  }
0x18: {  	s0 =	sld [smem:$0x3F95];
	_ =	swait.ge [sflag:s4], $0x0  }
0x19: {  	s7 =	sld [smem:$0x3F96]  }
0x1a: {  	s8 =	sadd.s32 $0xFFFFE003, lr  }
0x1b: {  	s9 =	sadd.s32 $0xFFFFFEF7, lr;
	s5 =	simm.s32 $0xFFFFFFFF;
	p2 =	slt.u32 s8, $0xFFFFF086  }
0x1c: {  	p1 =	slt.u32 s9, $0xF7A;
	s5 =	simm.s32 @!p2 $0x0  }
0x1d: {  	s5 =	simm.s32 @p1 $0x1;
	p0 =	seq.s32 s7, s2  }
0x1e: {  	s7 =	smul.u32 @!p0 $0xF7A, s2;
	p2 =	seq.s32 @!p0 s5, $0x0  }
0x1f: {  	s9 =	smul.u32 $0xF7A, s1;
	s8 =	simm.s32 @!p0 $0x1BF5;
	p2 =	por !p2, p0  }
0x20: {  	[sflag:s8] =	ssyncset.s32 @!p0 $0xFFFFF086;
	s6 =	sadd.s32 @!p0 s3, s7;
	s7 =	simm.s32 @!p0 $0x108  }
0x21: {  	s3 =	sadd.s32 s3, s9;
	s6 =	sadd.s32 @!p0 $0x88, s6;
	s7 =	simm.s32 @p2 $0x1082  }
0x22: {  	[simem:s7], [sflag:s8] =	dma.local @!p0 [hbm:s6], $0xF7A  }
0x23: {  	s9 =	sor.u32 $0xD0000000, s2;
	s6 =	simm.s32 $0x108;
	_ =	swait.ge @!p0 [sflag:s8], $0x0  }
0x24: {  	s3 =	sadd.s32 $0x88, s3;
	s6 =	simm.s32 @!p1 $0x1082;
	[sflag:s4] =	ssyncset.s32 $0xFFFFF086  }
0x25: {  	[simem:s6], [sflag:s4] =	dma.local [hbm:s3], $0xF7A  }
0x26: {  	[smem:$0x3F96] =	sst s1;
	(tag) =	ssettag s2;
	_ =	strace s9  }
0x27: {  	s1 =	sld [smem:$0x3FA6]  }
0x28: {  	s2 =	sld [smem:$0x3FA7]  }
0x29: {  	s4 =	sld [smem:$0x3FA9]  }
0x2a: {  	p0 =	seq.s32 s5, $0x0;
	s5 =	sld [smem:$0x3FAA]  }
0x2b: {  	s6 =	sld [smem:$0x3FAB]  }
0x2c: {  	s7 =	sld [smem:$0x3FAC]  }
0x2d: {  	s3 =	simm.s32 $0x108;
	s8 =	sld [smem:$0x3FAD]  }
0x2e: {  	s3 =	simm.s32 @!p0 $0x1082;
	s9 =	sld [smem:$0x3FAE]  }
0x2f: {  	lr =	sadd.s32 s0, s3;
	s0 =	sld [smem:$0x3FA5]  }
0x30: {  	s3 =	sld [smem:$0x3FA8]  }
0x31: {  	[smem:$0x3FB1] =	sst s10  }
0x32: {  	s10 =	sld [smem:$0x3FAF];
	_ =	sdelay $0x3  }
0x33: {  	p0 =	seq.s32 s10, $0x1;
	s10 =	sld [smem:$0x3FB1];
	_ =	sdelay $0x3  }
0x34: {  	[smem:$0x3FB1] =	sst s10  }
0x35: {  	s10 =	sld [smem:$0x3FB0];
	_ =	sdelay $0x3  }
0x36: {  	p1 =	seq.s32 s10, $0x1;
	s10 =	sld [smem:$0x3FB1];
	_ =	sdelay $0x3  }
0x37: {  	[smem:$0x3FB1] =	sst s10  }
0x38: {  	s10 =	sld [smem:$0x3FB2]  }
0x39: {  	_ = 	snop;
	(pc) =	sbr.ind lr, $3  }
0x3a: {  	_ = 	snop  }
0x3b: {  	_ = 	snop  }
0x3c: {  	p2 =	seq.s32 s10, $0x1;
	s10 =	sld [smem:$0x3FB1]  }
0x3d: {  	_ =	shalt  }
0x3e: {  	_ =	shalt  }
0x3f: {  	_ =	shalt  }
0x40: {  	_ =	shalt  }
0x41: {  	_ =	shalt  }
0x42: {  	_ =	shalt  }
0x43: {  	_ =	shalt  }
0x44: {  	_ =	shalt  }
0x45: {  	_ =	shalt  }
0x46: {  	_ =	shalt  }
0x47: {  	_ =	shalt  }
0x48: {  	_ =	shalt  }
0x49: {  	_ =	shalt  }
0x4a: {  	_ =	shalt  }
0x4b: {  	_ =	shalt  }
0x4c: {  	_ =	shalt  }
0x4d: {  	_ =	shalt  }
0x4e: {  	_ =	shalt  }
0x4f: {  	_ =	shalt  }
0x50: {  	_ =	shalt  }
0x51: {  	_ =	shalt  }
0x52: {  	_ =	shalt  }
0x53: {  	_ =	shalt  }
0x54: {  	_ =	shalt  }
0x55: {  	_ =	shalt  }
0x56: {  	_ =	shalt  }
0x57: {  	_ =	shalt  }
0x58: {  	_ =	shalt  }
0x59: {  	_ =	shalt  }
0x5a: {  	_ =	shalt  }
0x5b: {  	_ =	shalt  }
0x5c: {  	_ =	shalt  }
0x5d: {  	_ =	shalt  }
0x5e: {  	_ =	shalt  }
0x5f: {  	_ =	shalt  }
0x60: {  	_ =	shalt  }
0x61: {  	_ =	shalt  }
0x62: {  	_ =	shalt  }
0x63: {  	_ =	shalt  }
0x64: {  	_ =	shalt  }
0x65: {  	_ =	shalt  }
0x66: {  	_ =	shalt  }
0x67: {  	_ =	shalt  }
0x68: {  	_ =	shalt  }
0x69: {  	_ =	shalt  }
0x6a: {  	_ =	shalt  }
0x6b: {  	_ =	shalt  }
0x6c: {  	_ =	shalt  }
0x6d: {  	_ =	shalt  }
0x6e: {  	_ =	shalt  }
0x6f: {  	_ =	shalt  }
0x70: {  	_ =	shalt  }
0x71: {  	_ =	shalt  }
0x72: {  	_ =	shalt  }
0x73: {  	_ =	shalt  }
0x74: {  	_ =	shalt  }
0x75: {  	_ =	shalt  }
0x76: {  	_ =	shalt  }
0x77: {  	_ =	shalt  }
0x78: {  	_ =	shalt  }
0x79: {  	_ =	shalt  }
0x7a: {  	_ =	shalt  }
0x7b: {  	_ =	shalt  }
0x7c: {  	_ =	shalt  }
0x7d: {  	_ =	shalt  }
0x7e: {  	_ =	shalt  }
0x7f: {  	_ =	shalt  }
0x80: {  	_ =	shalt  }
0x81: {  	_ =	shalt  }
0x82: {  	_ =	shalt  }
0x83: {  	_ =	shalt  }
0x84: {  	_ =	shalt  }
0x85: {  	_ =	shalt  }
0x86: {  	_ =	shalt  }
0x87: {  	_ =	shalt  }
.Lfunc_end0:
.L_simem_size_0:
called_computation.1_lowered:
.L_overlay_start_0:
0x88: {  	s2 =	sld [smem:$0x3FD9]  }
0x89: {  	s3 =	sld [smem:$0x3FFE];
	_ =	sdelay $0x1  }
0x8a: {  	s1 =	srdreg.scid  }
0x8b: {  	s0 =	sand.u32 $0x1, s1  }
0x8c: {  	s16 =	sshll.u32 s0, $0xA;
	s2 =	sadd.s32 s3, s2  }
0x8d: {  	s2 =	sadd.s32 s2, s16  }
0x8e: {  	[smem:$0x3FBD] =	sst s2  }
0x8f: {  	_ = 	snop  }
0x90: {  	(tm) =	ssettm $0x1  }
0x91: {  	s17 =	sld [smem:$0x3FFB];
	_ =	sdelay $0x3  }
0x92: {  	_ =	strace s17  }
0x93: {  	s2 =	sld [smem:$0x3FFC];
	_ =	sdelay $0x3  }
0x94: {  	_ =	strace s2  }
0x95: {  	s2 =	sld [smem:$0x3FFD];
	_ =	sdelay $0x3  }
0x96: {  	_ =	strace s2  }
0x97: {  	_ =	strace $0x8FFFFFFF  }
0x98: {  	s18 =	sld [smem:$0x3FDB];
	_ =	sdelay $0x1  }
0x99: {  	s19 =	simm.s32 $_scs_section_size  }
0x9a: {  	s4 =	simm.s32 $_size__tile_overlayer_lowered;
	s5 =	simm.s32 $_tile_overlayer_lowered  }
0x9b: {  	s22 =	simm.s32 $0x1BFF;
	s21 =	sshll.u32 s5, $0x1;
	s2 =	sadd.s32 s19, s18  }
0x9c: {  	s6 =	simm.s32 $0x0;
	s20 =	sshll.u32 s4, $0x1;
	s4 =	sadd.s32 s21, s2  }
0x9d: {  	[timem:s6], [sflag:s22] =	dma.local [hbm:s4], s20  }
0x9e: {  	_ =	swait.ge [sflag:s22], s20  }
0x9f: {  	s3 =	ssub.s32 $0x0, s20;
	[sflag:s22] =	ssyncset.done $0x0  }
0xa0: {  	[sflag:s22] =	ssyncadd.s32 s3;
	_ =	sdelay $0x1  }
0xa1: {  	s23 =	simm.s32 $0x1B8B  }
0xa2: {  	_ =	swait.ge [sflag:s23], $0x1  }
0xa3: {  	[sflag:s23] =	ssyncset.done $0x0  }
0xa4: {  	s25 =	simm.s32 $0x1B8E;
	s24 =	sld [smem:$0x3FFE];
	[sflag:s23] =	ssyncadd.s32 $0xFFFFFFFF  }
0xa5: {  	s26 =	simm.s32 $execute0_lowered;
	[smem:$0x3FD2] =	sst s25  }
0xa6: {  	s4 =	sshll.u32 s26, $0x1;
	_ =	strace $0x80000049;
	[dreg:$0x1] =	wrdreg $0xFFFFFFFF  }
0xa7: {  	s28 =	simm.s32 $_size_execute0_lowered;
	s2 =	sadd.s32 s2, s4;
	[dreg:$0x0] =	wrdreg $0x0  }
0xa8: {  	s4 =	sshll.u32 s28, $0x1;
	[dreg:$0x2] =	wrdreg s2  }
0xa9: {  	[dreg:$0x3] =	wrdreg s4  }
0xaa: {  	[dreg:$0x4] =	wrdreg $0xC0  }
0xab: {  	_ =	task [dreg:s6], $0x5FFFF  }
0xac: {  	[dreg:$0x1] =	wrdreg $0xFFFFFFFF  }
0xad: {  	[dreg:$0x0] =	wrdreg $0x60  }
0xae: {  	[dreg:$0x2] =	wrdreg s24  }
0xaf: {  	[dreg:$0x3] =	wrdreg $0x90000  }
0xb0: {  	[dreg:$0x4] =	wrdreg $0x9  }
0xb1: {  	_ =	task.clear_ibuf [dreg:s6], $0x5FFFF;
	_ =	strace $0x90000049  }
0xb2: {  	s29 =	simm.s32 $0x9;
	_ =	strace $0x8000004B  }
0xb3: {  	_ =	swait.ge [sflag:s29], $0x1  }
0xb4: {  	[sflag:s29] =	ssyncadd.s32 $0xFFFFFFFF  }
0xb5: {  	_ =	strace $0x9000004B  }
0xb6: {  	_ =	sfence  }
0xb7: {  	s30 =	sld [smem:$0x0];
	_ =	sdelay $0x2  }
0xb8: {  	s31 =	sshll.u32 s1, $0xD;
	s1 =	sshrl.u32 s1, $0x2  }
0xb9: {  	s3 =	sand.u32 $0x4000, s31;
	s1 =	sadd.s32 s1, s30  }
0xba: {  	s0 =	sor.u32 s3, s0;
	s1 =	sshll.u32 s1, $0x11  }
0xbb: {  	s0 =	sor.u32 s1, s0  }
0xbc: {  	s0 =	sadd.s32 $0x8F2B, s0  }
0xbd: {  	[sflag:s0] =	ssyncadd.remote.s32 $0x1  }
0xbe: {  	_ =	sfence.sel $0xFFFF  }
0xbf: {  	[dreg:$0x0] =	wrdreg $0xFFFFFFFF;
	(pc) =	sbr.abs _section_cstart, $3  }
0xc0: {  	[dreg:$0x1] =	wrdreg $0xFFFFFFFF  }
0xc1: {  	_ =	task.clear_ibuf [dreg:s6], $0x2FFFF;
	_ =	strace $0x9FFFFFFF  }
0xc2: {  	(tm) =	ssettm $0x7FFFFFFF  }
0xc3: {  	_ =	shalt  }
tec
execute0_lowered:
.L_overlay_start_1:
0x0: {  	(tag) =	ssettag $0x1  }
0x1: {  	s7 =	rddreg [dreg:$0x0]  }
0x2: {  	s0 =	srdreg.scid;
	s2 =	rddreg [dreg:$0x1]  }
0x3: {  	s3 =	simm.s32 $0x0;
	s14 =	simm.s32 $0x80;
	s15 =	simm.s32 $0x5000  }
0x4: {  	s16 =	simm.s32 $0x1;
	s6 =	sand.u32 $0x1, s0;
	s0 =	stileid.u32  }
0x5: {  	s17 =	simm.s32 $0x0;
	[smem:$0x7FF] =	sst s3;
	s8 =	smul.u32 $0x140000, s6  }
0x6: {  	s4 =	sadd.s32 $0x1AE00, s7;
	s1 =	sshll.u32 s6, $0x4;
	s9 =	smul.u32 $0x14000, s0  }
0x7: {  	s28 =	smul.u32 $0x50000, s0;
	s6 =	ssub.s32 $0x2, s6;
	s1 =	sor.u32 s0, s1  }
0x8: {  	s31 =	sshll.u32 s0, $0x6;
	s29 =	sshrl.u32 s6, $0x1;
	s5 =	smul.u32 $0x500, s1  }
0x9: {  	s1 =	rddreg [dreg:$0x2];
	_ =	strace $0x8000004A;
	s8 =	sadd.s32 s9, s8  }
0xa: {  	s30 =	sshrl.u32 s28, $0x2;
	s12 =	ssub.s32 s6, s29;
	s6 =	sor.u32 $0x1C02, s31  }
0xb: {  	s8 =	sshrl.u32 s8, $0x3;
	s13 =	sadd.s32 s30, s2;
	s10 =	sadd.s32 s5, s7  }
0xc: {  	s5 =	sadd.s32 $0x18600, s7;
	s11 =	sadd.s32 s8, s7;
	s7 =	sadd.s32 $0x4600, s10  }
0xd: {  	s8 =	sadd.s32 $0xE600, s10;
	s9 =	sadd.s32 $0x42000, s11;
	s10 =	smax.u32 s12, $0x1  }
0xe: {  	s11 =	sshrl.u32 s13, $0x3;
	s12 =	simm.s32 $0x2;
	s13 =	simm.s32 $0x2800  }
.LBB2_1:
0xf: {  	[spmem:s11], [sflag:s6] =	dma.local [hbm:s5], $0x2800  }
0x10: {  	_ =	swait.ge [sflag:s12], $0x2800  }
0x11: {  	[sflag:s12] =	ssyncset.done $0x0  }
0x12: {  	[sflag:s12] =	ssyncadd.s32 $0xFFFFD800  }
0x13: {  	[tilespmem:s3], [sflag:$0x2] =	stream.linear.gather [hbm4b:s7+s3], $0x2780, $0x38;
	[tilespmem:$0x1D000] =	vst v63  }
0x14: {  	_ =	swait.ge [sflag:s12], $0x2780  }
0x15: {  	[sflag:s12] =	ssyncset.done $0x0  }
0x16: {  	[sflag:s12] =	ssyncadd.s32 $0xFFFFD880  }
0x17: {  	[tilespmem:s13], [sflag:$0x2] =	stream.linear.gather [hbm4b:s8+s3], $0x2780, $0x38;
	[tilespmem:$0x1D000] =	vst v63  }
0x18: {  	_ =	swait.ge [sflag:s12], $0x2780  }
0x19: {  	[sflag:s12] =	ssyncset.done $0x0  }
0x1a: {  	[sflag:s12] =	ssyncadd.s32 $0xFFFFD880  }
0x1b: {  	s18 =	simm.s32 $0x0;
	[bflag:$0x0] =	sbarrier.arrive $0xFFFF  }
0x1c: {  	[tilespmem:s15], [sflag:$0x1] =	stream.indirect.gather [hbm4b:s4+s14], $0x80, s18, s14, $0xb8;
	[tilespmem:$0x1D000] =	vst v63  }
0x1d: {  	_ =	swait.ge [sflag:s16], $0x4000  }
0x1e: {  	[sflag:s16] =	ssyncset.done $0x0  }
0x1f: {  	s31 =	simm.s32 $0x2800;
	[sflag:s16] =	ssyncadd.s32 $0xFFFFC000  }
0x20: {  	[spmem:s2] =	stream.indirect.scatter.add.f32 [tilespmem:s15], [sflag:$0x2], $0x80, s31, s14, $0xb8;
	[tilespmem:$0x1D000] =	vst v63  }
0x21: {  	_ =	swait.ge [sflag:s12], $0x4000  }
0x22: {  	s19 =	simm.s32 $0x400;
	s18 =	simm.s32 $0x200;
	[sflag:s12] =	ssyncset.done $0x0  }
.LBB2_2:
0x23: {  	s20 =	sshra.s32 s18, $0x2  }
0x24: {  	[sflag:s12] =	ssyncadd.s32 $0xFFFFC000;
	s18 =	smov.u32 s19;
	s21 =	sadd.s32 $0x200, s19  }
0x25: {  	[tilespmem:s15], [sflag:$0x1] =	stream.indirect.gather [hbm4b:s4+s14], $0x80, s20, s14, $0xb8;
	[tilespmem:$0x1D000] =	vst v63  }
0x26: {  	p0 =	sne.s32 s19, $0x9C00;
	_ =	swait.ge [sflag:s16], $0x4000  }
.Ltmp0:
0x27: {  	[sflag:s16] =	ssyncset.done $0x0;
	(pc) =	sbr.rel @p0 .LBB2_2-.Ltmp0, $4  }
0x28: {  	s19 =	sadd.s32 $0x2800, s20;
	[sflag:s16] =	ssyncadd.s32 $0xFFFFC000  }
0x29: {  	[spmem:s2] =	stream.indirect.scatter.add.f32 [tilespmem:s15], [sflag:$0x2], $0x80, s19, s14, $0xb8;
	[tilespmem:$0x1D000] =	vst v63  }
0x2a: {  	_ =	swait.ge [sflag:s12], $0x4000  }
0x2b: {  	s19 =	smov.u32 s21;
	[sflag:s12] =	ssyncset.done $0x0  }
0x2c: {  	s18 =	sshra.s32 s18, $0x2;
	[sflag:s12] =	ssyncadd.s32 $0xFFFFC000  }
0x2d: {  	[tilespmem:s15], [sflag:$0x1] =	stream.indirect.gather [hbm4b:s4+s14], $0x80, s18, s14, $0xb8;
	[tilespmem:$0x1D000] =	vst v63  }
0x2e: {  	_ =	swait.ge [sflag:s16], $0x4000  }
0x2f: {  	[sflag:s16] =	ssyncset.done $0x0  }
0x30: {  	s18 =	sadd.s32 $0x2800, s18;
	[sflag:s16] =	ssyncadd.s32 $0xFFFFC000  }
0x31: {  	[spmem:s2] =	stream.indirect.scatter.add.f32 [tilespmem:s15], [sflag:$0x2], $0x80, s18, s14, $0xb8;
	[tilespmem:$0x1D000] =	vst v63  }
0x32: {  	_ =	swait.ge [sflag:s12], $0x4000  }
0x33: {  	s17 =	sadd.s32 $0x1, s17;
	[sflag:s12] =	ssyncset.done $0x0  }
0x34: {  	p0 =	sne.s32 s17, s10;
	[sflag:s12] =	ssyncadd.s32 $0xFFFFC000  }
.Ltmp1:
0x35: {  	[bflag:$0x0] =	sbarrier.arrive $0xFFFF;
	(pc) =	sbr.rel @p0 .LBB2_1-.Ltmp1, $4  }
0x36: {  	[hbm:s9], [sflag:s6] =	dma.local [spmem:s11], $0x2800  }
0x37: {  	_ =	swait.ge [sflag:s12], $0x2800  }
0x38: {  	[sflag:s12] =	ssyncset.done $0x0  }
0x39: {  	[sflag:s12] =	ssyncadd.s32 $0xFFFFD800  }
0x3a: {  	_ =	sfence.sel $0x180000  }
0x3b: {  	[bflag:$0x0] =	sbarrier.arrive $0xFFFF  }
0x3c: {  	p0 =	sne.s32 s0, $0x0;
	_ =	strace $0x9000004A  }
0x3d: {  	s0 =	sadd.s32 @!p0 $0x100000, s1;
	[bflag:$0x2] =	sbarrier.arrive $0xFFFF  }
0x3e: {  	[sflag:s0] =	ssyncadd.tile.s32 @!p0 $0x1;
	_ =	shalt  }
.Lfunc_end2:
_tile_overlayer_lowered:
.L_overlay_start_2:
0x3f: {  	(tag) =	ssettag $0x2  }
0x40: {  	s0 =	rddreg [dreg:$0x0];
	s2 =	stileid.u32  }
0x41: {  	s1 =	rddreg [dreg:$0x1];
	p0 =	sne.s32 s2, $0x0  }
0x42: {  	s3 =	rddreg [dreg:$0x2];
	[bflag:$0x3] =	sbarrier.arrive $0xFFFF;
	s2 =	simm.s32 @!p0 $0x1C02  }
0x43: {  	[timem:s3], [sflag:s2] =	dma.local @!p0 [hbm:s0], s1  }
0x44: {  	s0 =	simm.s32 @!p0 $0x2  }
0x45: {  	_ =	swait.ge @!p0 [sflag:s0], s1  }
0x46: {  	s1 =	ssub.s32 @!p0 $0x0, s1;
	[sflag:s0] =	ssyncset.done @!p0 $0x0  }
0x47: {  	[sflag:s0] =	ssyncadd.s32 @!p0 s1  }
0x48: {  	[bflag:$0x3] =	sbarrier.arrive $0xFFFF  }
0x49: {  	_ =	shalt  }

// kernel: kernel.18.cloned.1.call-start
scs
__scs_entry_jumppad:
0x0: {  	(pc) =	sbr.rel $0x88, $3  }
0x1: {  	(tag) =	ssettag $0x0;
	lr =	simm.s32 $0x1  }
0x2: {  	[smem:$0x3F96] =	sst lr;
	_ =	strace $0xD0000000  }
0x3: {  	_ = 	snop  }
0x4: {  	_ = 	snop  }
0x5: {  	_ = 	snop  }
0x6: {  	_ = 	snop  }
0x7: {  	_ = 	snop  }
__scs_overlays_trampoline_lowered:
0x8: {  	[smem:$0x3FA5] =	sst s0  }
0x9: {  	[smem:$0x3FA6] =	sst s1  }
0xa: {  	[smem:$0x3FA7] =	sst s2  }
0xb: {  	[smem:$0x3FA8] =	sst s3  }
0xc: {  	[smem:$0x3FA9] =	sst s4  }
0xd: {  	[smem:$0x3FAA] =	sst s5  }
0xe: {  	[smem:$0x3FAB] =	sst s6  }
0xf: {  	[smem:$0x3FAC] =	sst s7  }
0x10: {  	[smem:$0x3FAD] =	sst s8  }
0x11: {  	[smem:$0x3FAE] =	sst s9;
	s0 =	simm.s32 @!p0 $0x0  }
0x12: {  	s1 =	sld [smem:$0x3F94];
	s0 =	simm.s32 @p0 $0x1  }
0x13: {  	[smem:$0x3FAF] =	sst s0;
	s0 =	simm.s32 @!p1 $0x0  }
0x14: {  	s2 =	sld [smem:$0x3F93];
	s0 =	simm.s32 @p1 $0x1  }
0x15: {  	[smem:$0x3FB0] =	sst s0;
	s0 =	simm.s32 @!p2 $0x0  }
0x16: {  	s3 =	sld [smem:$0x3FDB];
	s0 =	simm.s32 @p2 $0x1  }
0x17: {  	s4 =	simm.s32 $0x1BF5;
	[smem:$0x3FB2] =	sst s0  }
0x18: {  	s0 =	sld [smem:$0x3F95];
	_ =	swait.ge [sflag:s4], $0x0  }
0x19: {  	s7 =	sld [smem:$0x3F96]  }
0x1a: {  	s8 =	sadd.s32 $0xFFFFE003, lr  }
0x1b: {  	s9 =	sadd.s32 $0xFFFFFEF7, lr;
	s5 =	simm.s32 $0xFFFFFFFF;
	p2 =	slt.u32 s8, $0xFFFFF086  }
0x1c: {  	p1 =	slt.u32 s9, $0xF7A;
	s5 =	simm.s32 @!p2 $0x0  }
0x1d: {  	s5 =	simm.s32 @p1 $0x1;
	p0 =	seq.s32 s7, s2  }
0x1e: {  	s7 =	smul.u32 @!p0 $0xF7A, s2;
	p2 =	seq.s32 @!p0 s5, $0x0  }
0x1f: {  	s9 =	smul.u32 $0xF7A, s1;
	s8 =	simm.s32 @!p0 $0x1BF5;
	p2 =	por !p2, p0  }
0x20: {  	[sflag:s8] =	ssyncset.s32 @!p0 $0xFFFFF086;
	s6 =	sadd.s32 @!p0 s3, s7;
	s7 =	simm.s32 @!p0 $0x108  }
0x21: {  	s3 =	sadd.s32 s3, s9;
	s6 =	sadd.s32 @!p0 $0x88, s6;
	s7 =	simm.s32 @p2 $0x1082  }
0x22: {  	[simem:s7], [sflag:s8] =	dma.local @!p0 [hbm:s6], $0xF7A  }
0x23: {  	s9 =	sor.u32 $0xD0000000, s2;
	s6 =	simm.s32 $0x108;
	_ =	swait.ge @!p0 [sflag:s8], $0x0  }
0x24: {  	s3 =	sadd.s32 $0x88, s3;
	s6 =	simm.s32 @!p1 $0x1082;
	[sflag:s4] =	ssyncset.s32 $0xFFFFF086  }
0x25: {  	[simem:s6], [sflag:s4] =	dma.local [hbm:s3], $0xF7A  }
0x26: {  	[smem:$0x3F96] =	sst s1;
	(tag) =	ssettag s2;
	_ =	strace s9  }
0x27: {  	s1 =	sld [smem:$0x3FA6]  }
0x28: {  	s2 =	sld [smem:$0x3FA7]  }
0x29: {  	s4 =	sld [smem:$0x3FA9]  }
0x2a: {  	p0 =	seq.s32 s5, $0x0;
	s5 =	sld [smem:$0x3FAA]  }
0x2b: {  	s6 =	sld [smem:$0x3FAB]  }
0x2c: {  	s7 =	sld [smem:$0x3FAC]  }
0x2d: {  	s3 =	simm.s32 $0x108;
	s8 =	sld [smem:$0x3FAD]  }
0x2e: {  	s3 =	simm.s32 @!p0 $0x1082;
	s9 =	sld [smem:$0x3FAE]  }
0x2f: {  	lr =	sadd.s32 s0, s3;
	s0 =	sld [smem:$0x3FA5]  }
0x30: {  	s3 =	sld [smem:$0x3FA8]  }
0x31: {  	[smem:$0x3FB1] =	sst s10  }
0x32: {  	s10 =	sld [smem:$0x3FAF];
	_ =	sdelay $0x3  }
0x33: {  	p0 =	seq.s32 s10, $0x1;
	s10 =	sld [smem:$0x3FB1];
	_ =	sdelay $0x3  }
0x34: {  	[smem:$0x3FB1] =	sst s10  }
0x35: {  	s10 =	sld [smem:$0x3FB0];
	_ =	sdelay $0x3  }
0x36: {  	p1 =	seq.s32 s10, $0x1;
	s10 =	sld [smem:$0x3FB1];
	_ =	sdelay $0x3  }
0x37: {  	[smem:$0x3FB1] =	sst s10  }
0x38: {  	s10 =	sld [smem:$0x3FB2]  }
0x39: {  	_ = 	snop;
	(pc) =	sbr.ind lr, $3  }
0x3a: {  	_ = 	snop  }
0x3b: {  	_ = 	snop  }
0x3c: {  	p2 =	seq.s32 s10, $0x1;
	s10 =	sld [smem:$0x3FB1]  }
0x3d: {  	_ =	shalt  }
0x3e: {  	_ =	shalt  }
0x3f: {  	_ =	shalt  }
0x40: {  	_ =	shalt  }
0x41: {  	_ =	shalt  }
0x42: {  	_ =	shalt  }
0x43: {  	_ =	shalt  }
0x44: {  	_ =	shalt  }
0x45: {  	_ =	shalt  }
0x46: {  	_ =	shalt  }
0x47: {  	_ =	shalt  }
0x48: {  	_ =	shalt  }
0x49: {  	_ =	shalt  }
0x4a: {  	_ =	shalt  }
0x4b: {  	_ =	shalt  }
0x4c: {  	_ =	shalt  }
0x4d: {  	_ =	shalt  }
0x4e: {  	_ =	shalt  }
0x4f: {  	_ =	shalt  }
0x50: {  	_ =	shalt  }
0x51: {  	_ =	shalt  }
0x52: {  	_ =	shalt  }
0x53: {  	_ =	shalt  }
0x54: {  	_ =	shalt  }
0x55: {  	_ =	shalt  }
0x56: {  	_ =	shalt  }
0x57: {  	_ =	shalt  }
0x58: {  	_ =	shalt  }
0x59: {  	_ =	shalt  }
0x5a: {  	_ =	shalt  }
0x5b: {  	_ =	shalt  }
0x5c: {  	_ =	shalt  }
0x5d: {  	_ =	shalt  }
0x5e: {  	_ =	shalt  }
0x5f: {  	_ =	shalt  }
0x60: {  	_ =	shalt  }
0x61: {  	_ =	shalt  }
0x62: {  	_ =	shalt  }
0x63: {  	_ =	shalt  }
0x64: {  	_ =	shalt  }
0x65: {  	_ =	shalt  }
0x66: {  	_ =	shalt  }
0x67: {  	_ =	shalt  }
0x68: {  	_ =	shalt  }
0x69: {  	_ =	shalt  }
0x6a: {  	_ =	shalt  }
0x6b: {  	_ =	shalt  }
0x6c: {  	_ =	shalt  }
0x6d: {  	_ =	shalt  }
0x6e: {  	_ =	shalt  }
0x6f: {  	_ =	shalt  }
0x70: {  	_ =	shalt  }
0x71: {  	_ =	shalt  }
0x72: {  	_ =	shalt  }
0x73: {  	_ =	shalt  }
0x74: {  	_ =	shalt  }
0x75: {  	_ =	shalt  }
0x76: {  	_ =	shalt  }
0x77: {  	_ =	shalt  }
0x78: {  	_ =	shalt  }
0x79: {  	_ =	shalt  }
0x7a: {  	_ =	shalt  }
0x7b: {  	_ =	shalt  }
0x7c: {  	_ =	shalt  }
0x7d: {  	_ =	shalt  }
0x7e: {  	_ =	shalt  }
0x7f: {  	_ =	shalt  }
0x80: {  	_ =	shalt  }
0x81: {  	_ =	shalt  }
0x82: {  	_ =	shalt  }
0x83: {  	_ =	shalt  }
0x84: {  	_ =	shalt  }
0x85: {  	_ =	shalt  }
0x86: {  	_ =	shalt  }
0x87: {  	_ =	shalt  }
.Lfunc_end0:
.L_simem_size_0:
called_computation.2_lowered:
.L_overlay_start_0:
0x88: {  	s2 =	sld [smem:$0x3FD9]  }
0x89: {  	s3 =	sld [smem:$0x3FFE];
	_ =	sdelay $0x1  }
0x8a: {  	s1 =	srdreg.scid  }
0x8b: {  	s0 =	sand.u32 $0x1, s1  }
0x8c: {  	s16 =	sshll.u32 s0, $0xA;
	s2 =	sadd.s32 s3, s2  }
0x8d: {  	s2 =	sadd.s32 s2, s16  }
0x8e: {  	[smem:$0x3FBD] =	sst s2  }
0x8f: {  	_ = 	snop  }
0x90: {  	(tm) =	ssettm $0x1  }
0x91: {  	s17 =	sld [smem:$0x3FFB];
	_ =	sdelay $0x3  }
0x92: {  	_ =	strace s17  }
0x93: {  	s2 =	sld [smem:$0x3FFC];
	_ =	sdelay $0x3  }
0x94: {  	_ =	strace s2  }
0x95: {  	s2 =	sld [smem:$0x3FFD];
	_ =	sdelay $0x3  }
0x96: {  	_ =	strace s2  }
0x97: {  	_ =	strace $0x8FFFFFFF  }
0x98: {  	s18 =	sld [smem:$0x3FDB];
	_ =	sdelay $0x1  }
0x99: {  	s19 =	simm.s32 $_scs_section_size  }
0x9a: {  	s4 =	simm.s32 $_size__tile_overlayer_lowered;
	s5 =	simm.s32 $_tile_overlayer_lowered  }
0x9b: {  	s22 =	simm.s32 $0x1BFF;
	s21 =	sshll.u32 s5, $0x1;
	s2 =	sadd.s32 s19, s18  }
0x9c: {  	s6 =	simm.s32 $0x0;
	s20 =	sshll.u32 s4, $0x1;
	s4 =	sadd.s32 s21, s2  }
0x9d: {  	[timem:s6], [sflag:s22] =	dma.local [hbm:s4], s20  }
0x9e: {  	_ =	swait.ge [sflag:s22], s20  }
0x9f: {  	s3 =	ssub.s32 $0x0, s20;
	[sflag:s22] =	ssyncset.done $0x0  }
0xa0: {  	[sflag:s22] =	ssyncadd.s32 s3;
	_ =	sdelay $0x1  }
0xa1: {  	s23 =	simm.s32 $0x1B8B  }
0xa2: {  	_ =	swait.ge [sflag:s23], $0x1  }
0xa3: {  	[sflag:s23] =	ssyncset.done $0x0  }
0xa4: {  	s25 =	simm.s32 $0x1B8E;
	s24 =	sld [smem:$0x3FFE];
	[sflag:s23] =	ssyncadd.s32 $0xFFFFFFFF  }
0xa5: {  	s26 =	simm.s32 $execute0_lowered;
	[smem:$0x3FD2] =	sst s25  }
0xa6: {  	s4 =	sshll.u32 s26, $0x1;
	_ =	strace $0x8000004C;
	[dreg:$0x1] =	wrdreg $0xFFFFFFFF  }
0xa7: {  	s28 =	simm.s32 $_size_execute0_lowered;
	s2 =	sadd.s32 s2, s4;
	[dreg:$0x0] =	wrdreg $0x0  }
0xa8: {  	s4 =	sshll.u32 s28, $0x1;
	[dreg:$0x2] =	wrdreg s2  }
0xa9: {  	[dreg:$0x3] =	wrdreg s4  }
0xaa: {  	[dreg:$0x4] =	wrdreg $0xC0  }
0xab: {  	_ =	task [dreg:s6], $0x5FFFF  }
0xac: {  	[dreg:$0x1] =	wrdreg $0xFFFFFFFF  }
0xad: {  	[dreg:$0x0] =	wrdreg $0x60  }
0xae: {  	[dreg:$0x2] =	wrdreg s24  }
0xaf: {  	[dreg:$0x3] =	wrdreg $0x90000  }
0xb0: {  	[dreg:$0x4] =	wrdreg $0x9  }
0xb1: {  	_ =	task.clear_ibuf [dreg:s6], $0x5FFFF;
	_ =	strace $0x9000004C  }
0xb2: {  	s29 =	simm.s32 $0x9;
	_ =	strace $0x8000004E  }
0xb3: {  	_ =	swait.ge [sflag:s29], $0x1  }
0xb4: {  	[sflag:s29] =	ssyncadd.s32 $0xFFFFFFFF  }
0xb5: {  	_ =	strace $0x9000004E  }
0xb6: {  	_ =	sfence  }
0xb7: {  	s30 =	sld [smem:$0x0];
	_ =	sdelay $0x2  }
0xb8: {  	s31 =	sshll.u32 s1, $0xD;
	s1 =	sshrl.u32 s1, $0x2  }
0xb9: {  	s3 =	sand.u32 $0x4000, s31;
	s1 =	sadd.s32 s1, s30  }
0xba: {  	s0 =	sor.u32 s3, s0;
	s1 =	sshll.u32 s1, $0x11  }
0xbb: {  	s0 =	sor.u32 s1, s0  }
0xbc: {  	s0 =	sadd.s32 $0x8F2B, s0  }
0xbd: {  	[sflag:s0] =	ssyncadd.remote.s32 $0x1  }
0xbe: {  	_ =	sfence.sel $0xFFFF  }
0xbf: {  	[dreg:$0x0] =	wrdreg $0xFFFFFFFF;
	(pc) =	sbr.abs _section_cstart, $3  }
0xc0: {  	[dreg:$0x1] =	wrdreg $0xFFFFFFFF  }
0xc1: {  	_ =	task.clear_ibuf [dreg:s6], $0x2FFFF;
	_ =	strace $0x9FFFFFFF  }
0xc2: {  	(tm) =	ssettm $0x7FFFFFFF  }
0xc3: {  	_ =	shalt  }
tec
execute0_lowered:
.L_overlay_start_1:
0x0: {  	(tag) =	ssettag $0x1  }
0x1: {  	s7 =	rddreg [dreg:$0x0]  }
0x2: {  	s0 =	srdreg.scid;
	s2 =	rddreg [dreg:$0x1]  }
0x3: {  	s3 =	simm.s32 $0x0;
	s14 =	simm.s32 $0x80;
	s15 =	simm.s32 $0x5000  }
0x4: {  	s16 =	simm.s32 $0x1;
	s6 =	sand.u32 $0x1, s0;
	s0 =	stileid.u32  }
0x5: {  	s17 =	simm.s32 $0x0;
	[smem:$0x7FF] =	sst s3;
	s8 =	smul.u32 $0x140000, s6  }
0x6: {  	s4 =	sadd.s32 $0x1AE00, s7;
	s1 =	sshll.u32 s6, $0x4;
	s9 =	smul.u32 $0x14000, s0  }
0x7: {  	s28 =	smul.u32 $0x50000, s0;
	s6 =	ssub.s32 $0x2, s6;
	s1 =	sor.u32 s0, s1  }
0x8: {  	s31 =	sshll.u32 s0, $0x6;
	s29 =	sshrl.u32 s6, $0x1;
	s5 =	smul.u32 $0x500, s1  }
0x9: {  	s1 =	rddreg [dreg:$0x2];
	_ =	strace $0x8000004D;
	s8 =	sadd.s32 s9, s8  }
0xa: {  	s30 =	sshrl.u32 s28, $0x2;
	s12 =	ssub.s32 s6, s29;
	s6 =	sor.u32 $0x1C02, s31  }
0xb: {  	s8 =	sshrl.u32 s8, $0x3;
	s13 =	sadd.s32 s30, s2;
	s10 =	sadd.s32 s5, s7  }
0xc: {  	s5 =	sadd.s32 $0x18600, s7;
	s11 =	sadd.s32 s8, s7;
	s7 =	sadd.s32 $0x4600, s10  }
0xd: {  	s8 =	sadd.s32 $0xE600, s10;
	s9 =	sadd.s32 $0x42000, s11;
	s10 =	smax.u32 s12, $0x1  }
0xe: {  	s11 =	sshrl.u32 s13, $0x3;
	s12 =	simm.s32 $0x2;
	s13 =	simm.s32 $0x2800  }
.LBB2_1:
0xf: {  	[spmem:s11], [sflag:s6] =	dma.local [hbm:s5], $0x2800  }
0x10: {  	_ =	swait.ge [sflag:s12], $0x2800  }
0x11: {  	[sflag:s12] =	ssyncset.done $0x0  }
0x12: {  	[sflag:s12] =	ssyncadd.s32 $0xFFFFD800  }
0x13: {  	[tilespmem:s3], [sflag:$0x2] =	stream.linear.gather [hbm4b:s7+s3], $0x2780, $0x38;
	[tilespmem:$0x1D000] =	vst v63  }
0x14: {  	_ =	swait.ge [sflag:s12], $0x2780  }
0x15: {  	[sflag:s12] =	ssyncset.done $0x0  }
0x16: {  	[sflag:s12] =	ssyncadd.s32 $0xFFFFD880  }
0x17: {  	[tilespmem:s13], [sflag:$0x2] =	stream.linear.gather [hbm4b:s8+s3], $0x2780, $0x38;
	[tilespmem:$0x1D000] =	vst v63  }
0x18: {  	_ =	swait.ge [sflag:s12], $0x2780  }
0x19: {  	[sflag:s12] =	ssyncset.done $0x0  }
0x1a: {  	[sflag:s12] =	ssyncadd.s32 $0xFFFFD880  }
0x1b: {  	s18 =	simm.s32 $0x0;
	[bflag:$0x0] =	sbarrier.arrive $0xFFFF  }
0x1c: {  	[tilespmem:s15], [sflag:$0x1] =	stream.indirect.gather [hbm4b:s4+s14], $0x80, s18, s14, $0xb8;
	[tilespmem:$0x1D000] =	vst v63  }
0x1d: {  	_ =	swait.ge [sflag:s16], $0x4000  }
0x1e: {  	[sflag:s16] =	ssyncset.done $0x0  }
0x1f: {  	s31 =	simm.s32 $0x2800;
	[sflag:s16] =	ssyncadd.s32 $0xFFFFC000  }
0x20: {  	[spmem:s2] =	stream.indirect.scatter.add.f32 [tilespmem:s15], [sflag:$0x2], $0x80, s31, s14, $0xb8;
	[tilespmem:$0x1D000] =	vst v63  }
0x21: {  	_ =	swait.ge [sflag:s12], $0x4000  }
0x22: {  	s19 =	simm.s32 $0x400;
	s18 =	simm.s32 $0x200;
	[sflag:s12] =	ssyncset.done $0x0  }
.LBB2_2:
0x23: {  	s20 =	sshra.s32 s18, $0x2  }
0x24: {  	[sflag:s12] =	ssyncadd.s32 $0xFFFFC000;
	s18 =	smov.u32 s19;
	s21 =	sadd.s32 $0x200, s19  }
0x25: {  	[tilespmem:s15], [sflag:$0x1] =	stream.indirect.gather [hbm4b:s4+s14], $0x80, s20, s14, $0xb8;
	[tilespmem:$0x1D000] =	vst v63  }
0x26: {  	p0 =	sne.s32 s19, $0x9C00;
	_ =	swait.ge [sflag:s16], $0x4000  }
.Ltmp0:
0x27: {  	[sflag:s16] =	ssyncset.done $0x0;
	(pc) =	sbr.rel @p0 .LBB2_2-.Ltmp0, $4  }
0x28: {  	s19 =	sadd.s32 $0x2800, s20;
	[sflag:s16] =	ssyncadd.s32 $0xFFFFC000  }
0x29: {  	[spmem:s2] =	stream.indirect.scatter.add.f32 [tilespmem:s15], [sflag:$0x2], $0x80, s19, s14, $0xb8;
	[tilespmem:$0x1D000] =	vst v63  }
0x2a: {  	_ =	swait.ge [sflag:s12], $0x4000  }
0x2b: {  	s19 =	smov.u32 s21;
	[sflag:s12] =	ssyncset.done $0x0  }
0x2c: {  	s18 =	sshra.s32 s18, $0x2;
	[sflag:s12] =	ssyncadd.s32 $0xFFFFC000  }
0x2d: {  	[tilespmem:s15], [sflag:$0x1] =	stream.indirect.gather [hbm4b:s4+s14], $0x80, s18, s14, $0xb8;
	[tilespmem:$0x1D000] =	vst v63  }
0x2e: {  	_ =	swait.ge [sflag:s16], $0x4000  }
0x2f: {  	[sflag:s16] =	ssyncset.done $0x0  }
0x30: {  	s18 =	sadd.s32 $0x2800, s18;
	[sflag:s16] =	ssyncadd.s32 $0xFFFFC000  }
0x31: {  	[spmem:s2] =	stream.indirect.scatter.add.f32 [tilespmem:s15], [sflag:$0x2], $0x80, s18, s14, $0xb8;
	[tilespmem:$0x1D000] =	vst v63  }
0x32: {  	_ =	swait.ge [sflag:s12], $0x4000  }
0x33: {  	s17 =	sadd.s32 $0x1, s17;
	[sflag:s12] =	ssyncset.done $0x0  }
0x34: {  	p0 =	sne.s32 s17, s10;
	[sflag:s12] =	ssyncadd.s32 $0xFFFFC000  }
.Ltmp1:
0x35: {  	[bflag:$0x0] =	sbarrier.arrive $0xFFFF;
	(pc) =	sbr.rel @p0 .LBB2_1-.Ltmp1, $4  }
0x36: {  	[hbm:s9], [sflag:s6] =	dma.local [spmem:s11], $0x2800  }
0x37: {  	_ =	swait.ge [sflag:s12], $0x2800  }
0x38: {  	[sflag:s12] =	ssyncset.done $0x0  }
0x39: {  	[sflag:s12] =	ssyncadd.s32 $0xFFFFD800  }
0x3a: {  	_ =	sfence.sel $0x180000  }
0x3b: {  	[bflag:$0x0] =	sbarrier.arrive $0xFFFF  }
0x3c: {  	p0 =	sne.s32 s0, $0x0;
	_ =	strace $0x9000004D  }
0x3d: {  	s0 =	sadd.s32 @!p0 $0x100000, s1;
	[bflag:$0x2] =	sbarrier.arrive $0xFFFF  }
0x3e: {  	[sflag:s0] =	ssyncadd.tile.s32 @!p0 $0x1;
	_ =	shalt  }
.Lfunc_end2:
_tile_overlayer_lowered:
.L_overlay_start_2:
0x3f: {  	(tag) =	ssettag $0x2  }
0x40: {  	s0 =	rddreg [dreg:$0x0];
	s2 =	stileid.u32  }
0x41: {  	s1 =	rddreg [dreg:$0x1];
	p0 =	sne.s32 s2, $0x0  }
0x42: {  	s3 =	rddreg [dreg:$0x2];
	[bflag:$0x3] =	sbarrier.arrive $0xFFFF;
	s2 =	simm.s32 @!p0 $0x1C02  }
0x43: {  	[timem:s3], [sflag:s2] =	dma.local @!p0 [hbm:s0], s1  }
0x44: {  	s0 =	simm.s32 @!p0 $0x2  }
0x45: {  	_ =	swait.ge @!p0 [sflag:s0], s1  }
0x46: {  	s1 =	ssub.s32 @!p0 $0x0, s1;
	[sflag:s0] =	ssyncset.done @!p0 $0x0  }
0x47: {  	[sflag:s0] =	ssyncadd.s32 @!p0 s1  }
0x48: {  	[bflag:$0x3] =	sbarrier.arrive $0xFFFF  }
0x49: {  	_ =	shalt  }

// kernel: kernel.21.cloned.1.call-start
scs
__scs_entry_jumppad:
0x0: {  	(pc) =	sbr.rel $0x88, $3  }
0x1: {  	(tag) =	ssettag $0x0;
	lr =	simm.s32 $0x1  }
0x2: {  	[smem:$0x3F96] =	sst lr;
	_ =	strace $0xD0000000  }
0x3: {  	_ = 	snop  }
0x4: {  	_ = 	snop  }
0x5: {  	_ = 	snop  }
0x6: {  	_ = 	snop  }
0x7: {  	_ = 	snop  }
__scs_overlays_trampoline_lowered:
0x8: {  	[smem:$0x3FA5] =	sst s0  }
0x9: {  	[smem:$0x3FA6] =	sst s1  }
0xa: {  	[smem:$0x3FA7] =	sst s2  }
0xb: {  	[smem:$0x3FA8] =	sst s3  }
0xc: {  	[smem:$0x3FA9] =	sst s4  }
0xd: {  	[smem:$0x3FAA] =	sst s5  }
0xe: {  	[smem:$0x3FAB] =	sst s6  }
0xf: {  	[smem:$0x3FAC] =	sst s7  }
0x10: {  	[smem:$0x3FAD] =	sst s8  }
0x11: {  	[smem:$0x3FAE] =	sst s9;
	s0 =	simm.s32 @!p0 $0x0  }
0x12: {  	s1 =	sld [smem:$0x3F94];
	s0 =	simm.s32 @p0 $0x1  }
0x13: {  	[smem:$0x3FAF] =	sst s0;
	s0 =	simm.s32 @!p1 $0x0  }
0x14: {  	s2 =	sld [smem:$0x3F93];
	s0 =	simm.s32 @p1 $0x1  }
0x15: {  	[smem:$0x3FB0] =	sst s0;
	s0 =	simm.s32 @!p2 $0x0  }
0x16: {  	s3 =	sld [smem:$0x3FDB];
	s0 =	simm.s32 @p2 $0x1  }
0x17: {  	s4 =	simm.s32 $0x1BF5;
	[smem:$0x3FB2] =	sst s0  }
0x18: {  	s0 =	sld [smem:$0x3F95];
	_ =	swait.ge [sflag:s4], $0x0  }
0x19: {  	s7 =	sld [smem:$0x3F96]  }
0x1a: {  	s8 =	sadd.s32 $0xFFFFE003, lr  }
0x1b: {  	s9 =	sadd.s32 $0xFFFFFEF7, lr;
	s5 =	simm.s32 $0xFFFFFFFF;
	p2 =	slt.u32 s8, $0xFFFFF086  }
0x1c: {  	p1 =	slt.u32 s9, $0xF7A;
	s5 =	simm.s32 @!p2 $0x0  }
0x1d: {  	s5 =	simm.s32 @p1 $0x1;
	p0 =	seq.s32 s7, s2  }
0x1e: {  	s7 =	smul.u32 @!p0 $0xF7A, s2;
	p2 =	seq.s32 @!p0 s5, $0x0  }
0x1f: {  	s9 =	smul.u32 $0xF7A, s1;
	s8 =	simm.s32 @!p0 $0x1BF5;
	p2 =	por !p2, p0  }
0x20: {  	[sflag:s8] =	ssyncset.s32 @!p0 $0xFFFFF086;
	s6 =	sadd.s32 @!p0 s3, s7;
	s7 =	simm.s32 @!p0 $0x108  }
0x21: {  	s3 =	sadd.s32 s3, s9;
	s6 =	sadd.s32 @!p0 $0x88, s6;
	s7 =	simm.s32 @p2 $0x1082  }
0x22: {  	[simem:s7], [sflag:s8] =	dma.local @!p0 [hbm:s6], $0xF7A  }
0x23: {  	s9 =	sor.u32 $0xD0000000, s2;
	s6 =	simm.s32 $0x108;
	_ =	swait.ge @!p0 [sflag:s8], $0x0  }
0x24: {  	s3 =	sadd.s32 $0x88, s3;
	s6 =	simm.s32 @!p1 $0x1082;
	[sflag:s4] =	ssyncset.s32 $0xFFFFF086  }
0x25: {  	[simem:s6], [sflag:s4] =	dma.local [hbm:s3], $0xF7A  }
0x26: {  	[smem:$0x3F96] =	sst s1;
	(tag) =	ssettag s2;
	_ =	strace s9  }
0x27: {  	s1 =	sld [smem:$0x3FA6]  }
0x28: {  	s2 =	sld [smem:$0x3FA7]  }
0x29: {  	s4 =	sld [smem:$0x3FA9]  }
0x2a: {  	p0 =	seq.s32 s5, $0x0;
	s5 =	sld [smem:$0x3FAA]  }
0x2b: {  	s6 =	sld [smem:$0x3FAB]  }
0x2c: {  	s7 =	sld [smem:$0x3FAC]  }
0x2d: {  	s3 =	simm.s32 $0x108;
	s8 =	sld [smem:$0x3FAD]  }
0x2e: {  	s3 =	simm.s32 @!p0 $0x1082;
	s9 =	sld [smem:$0x3FAE]  }
0x2f: {  	lr =	sadd.s32 s0, s3;
	s0 =	sld [smem:$0x3FA5]  }
0x30: {  	s3 =	sld [smem:$0x3FA8]  }
0x31: {  	[smem:$0x3FB1] =	sst s10  }
0x32: {  	s10 =	sld [smem:$0x3FAF];
	_ =	sdelay $0x3  }
0x33: {  	p0 =	seq.s32 s10, $0x1;
	s10 =	sld [smem:$0x3FB1];
	_ =	sdelay $0x3  }
0x34: {  	[smem:$0x3FB1] =	sst s10  }
0x35: {  	s10 =	sld [smem:$0x3FB0];
	_ =	sdelay $0x3  }
0x36: {  	p1 =	seq.s32 s10, $0x1;
	s10 =	sld [smem:$0x3FB1];
	_ =	sdelay $0x3  }
0x37: {  	[smem:$0x3FB1] =	sst s10  }
0x38: {  	s10 =	sld [smem:$0x3FB2]  }
0x39: {  	_ = 	snop;
	(pc) =	sbr.ind lr, $3  }
0x3a: {  	_ = 	snop  }
0x3b: {  	_ = 	snop  }
0x3c: {  	p2 =	seq.s32 s10, $0x1;
	s10 =	sld [smem:$0x3FB1]  }
0x3d: {  	_ =	shalt  }
0x3e: {  	_ =	shalt  }
0x3f: {  	_ =	shalt  }
0x40: {  	_ =	shalt  }
0x41: {  	_ =	shalt  }
0x42: {  	_ =	shalt  }
0x43: {  	_ =	shalt  }
0x44: {  	_ =	shalt  }
0x45: {  	_ =	shalt  }
0x46: {  	_ =	shalt  }
0x47: {  	_ =	shalt  }
0x48: {  	_ =	shalt  }
0x49: {  	_ =	shalt  }
0x4a: {  	_ =	shalt  }
0x4b: {  	_ =	shalt  }
0x4c: {  	_ =	shalt  }
0x4d: {  	_ =	shalt  }
0x4e: {  	_ =	shalt  }
0x4f: {  	_ =	shalt  }
0x50: {  	_ =	shalt  }
0x51: {  	_ =	shalt  }
0x52: {  	_ =	shalt  }
0x53: {  	_ =	shalt  }
0x54: {  	_ =	shalt  }
0x55: {  	_ =	shalt  }
0x56: {  	_ =	shalt  }
0x57: {  	_ =	shalt  }
0x58: {  	_ =	shalt  }
0x59: {  	_ =	shalt  }
0x5a: {  	_ =	shalt  }
0x5b: {  	_ =	shalt  }
0x5c: {  	_ =	shalt  }
0x5d: {  	_ =	shalt  }
0x5e: {  	_ =	shalt  }
0x5f: {  	_ =	shalt  }
0x60: {  	_ =	shalt  }
0x61: {  	_ =	shalt  }
0x62: {  	_ =	shalt  }
0x63: {  	_ =	shalt  }
0x64: {  	_ =	shalt  }
0x65: {  	_ =	shalt  }
0x66: {  	_ =	shalt  }
0x67: {  	_ =	shalt  }
0x68: {  	_ =	shalt  }
0x69: {  	_ =	shalt  }
0x6a: {  	_ =	shalt  }
0x6b: {  	_ =	shalt  }
0x6c: {  	_ =	shalt  }
0x6d: {  	_ =	shalt  }
0x6e: {  	_ =	shalt  }
0x6f: {  	_ =	shalt  }
0x70: {  	_ =	shalt  }
0x71: {  	_ =	shalt  }
0x72: {  	_ =	shalt  }
0x73: {  	_ =	shalt  }
0x74: {  	_ =	shalt  }
0x75: {  	_ =	shalt  }
0x76: {  	_ =	shalt  }
0x77: {  	_ =	shalt  }
0x78: {  	_ =	shalt  }
0x79: {  	_ =	shalt  }
0x7a: {  	_ =	shalt  }
0x7b: {  	_ =	shalt  }
0x7c: {  	_ =	shalt  }
0x7d: {  	_ =	shalt  }
0x7e: {  	_ =	shalt  }
0x7f: {  	_ =	shalt  }
0x80: {  	_ =	shalt  }
0x81: {  	_ =	shalt  }
0x82: {  	_ =	shalt  }
0x83: {  	_ =	shalt  }
0x84: {  	_ =	shalt  }
0x85: {  	_ =	shalt  }
0x86: {  	_ =	shalt  }
0x87: {  	_ =	shalt  }
.Lfunc_end0:
.L_simem_size_0:
called_computation.3_lowered:
.L_overlay_start_0:
0x88: {  	s2 =	sld [smem:$0x3FD9]  }
0x89: {  	s3 =	sld [smem:$0x3FFE];
	_ =	sdelay $0x1  }
0x8a: {  	s1 =	srdreg.scid  }
0x8b: {  	s0 =	sand.u32 $0x1, s1  }
0x8c: {  	s16 =	sshll.u32 s0, $0xA;
	s2 =	sadd.s32 s3, s2  }
0x8d: {  	s2 =	sadd.s32 s2, s16  }
0x8e: {  	[smem:$0x3FBD] =	sst s2  }
0x8f: {  	_ = 	snop  }
0x90: {  	(tm) =	ssettm $0x1  }
0x91: {  	s17 =	sld [smem:$0x3FFB];
	_ =	sdelay $0x3  }
0x92: {  	_ =	strace s17  }
0x93: {  	s2 =	sld [smem:$0x3FFC];
	_ =	sdelay $0x3  }
0x94: {  	_ =	strace s2  }
0x95: {  	s2 =	sld [smem:$0x3FFD];
	_ =	sdelay $0x3  }
0x96: {  	_ =	strace s2  }
0x97: {  	_ =	strace $0x8FFFFFFF  }
0x98: {  	s18 =	sld [smem:$0x3FDB];
	_ =	sdelay $0x1  }
0x99: {  	s19 =	simm.s32 $_scs_section_size  }
0x9a: {  	s4 =	simm.s32 $_size__tile_overlayer_lowered;
	s5 =	simm.s32 $_tile_overlayer_lowered  }
0x9b: {  	s22 =	simm.s32 $0x1BFF;
	s21 =	sshll.u32 s5, $0x1;
	s2 =	sadd.s32 s19, s18  }
0x9c: {  	s6 =	simm.s32 $0x0;
	s20 =	sshll.u32 s4, $0x1;
	s4 =	sadd.s32 s21, s2  }
0x9d: {  	[timem:s6], [sflag:s22] =	dma.local [hbm:s4], s20  }
0x9e: {  	_ =	swait.ge [sflag:s22], s20  }
0x9f: {  	s3 =	ssub.s32 $0x0, s20;
	[sflag:s22] =	ssyncset.done $0x0  }
0xa0: {  	[sflag:s22] =	ssyncadd.s32 s3;
	_ =	sdelay $0x1  }
0xa1: {  	s23 =	simm.s32 $0x1B8B  }
0xa2: {  	_ =	swait.ge [sflag:s23], $0x1  }
0xa3: {  	[sflag:s23] =	ssyncset.done $0x0  }
0xa4: {  	s25 =	simm.s32 $0x1B8E;
	s24 =	sld [smem:$0x3FFE];
	[sflag:s23] =	ssyncadd.s32 $0xFFFFFFFF  }
0xa5: {  	s26 =	simm.s32 $execute0_lowered;
	[smem:$0x3FD2] =	sst s25  }
0xa6: {  	s4 =	sshll.u32 s26, $0x1;
	_ =	strace $0x8000004F;
	[dreg:$0x1] =	wrdreg $0xFFFFFFFF  }
0xa7: {  	s28 =	simm.s32 $_size_execute0_lowered;
	s2 =	sadd.s32 s2, s4;
	[dreg:$0x0] =	wrdreg $0x0  }
0xa8: {  	s4 =	sshll.u32 s28, $0x1;
	[dreg:$0x2] =	wrdreg s2  }
0xa9: {  	[dreg:$0x3] =	wrdreg s4  }
0xaa: {  	[dreg:$0x4] =	wrdreg $0xC0  }
0xab: {  	_ =	task [dreg:s6], $0x5FFFF  }
0xac: {  	[dreg:$0x1] =	wrdreg $0xFFFFFFFF  }
0xad: {  	[dreg:$0x0] =	wrdreg $0x60  }
0xae: {  	[dreg:$0x2] =	wrdreg s24  }
0xaf: {  	[dreg:$0x3] =	wrdreg $0x90000  }
0xb0: {  	[dreg:$0x4] =	wrdreg $0x9  }
0xb1: {  	_ =	task.clear_ibuf [dreg:s6], $0x5FFFF;
	_ =	strace $0x9000004F  }
0xb2: {  	s29 =	simm.s32 $0x9;
	_ =	strace $0x80000051  }
0xb3: {  	_ =	swait.ge [sflag:s29], $0x1  }
0xb4: {  	[sflag:s29] =	ssyncadd.s32 $0xFFFFFFFF  }
0xb5: {  	_ =	strace $0x90000051  }
0xb6: {  	_ =	sfence  }
0xb7: {  	s30 =	sld [smem:$0x0];
	_ =	sdelay $0x2  }
0xb8: {  	s31 =	sshll.u32 s1, $0xD;
	s1 =	sshrl.u32 s1, $0x2  }
0xb9: {  	s3 =	sand.u32 $0x4000, s31;
	s1 =	sadd.s32 s1, s30  }
0xba: {  	s0 =	sor.u32 s3, s0;
	s1 =	sshll.u32 s1, $0x11  }
0xbb: {  	s0 =	sor.u32 s1, s0  }
0xbc: {  	s0 =	sadd.s32 $0x8F2B, s0  }
0xbd: {  	[sflag:s0] =	ssyncadd.remote.s32 $0x1  }
0xbe: {  	_ =	sfence.sel $0xFFFF  }
0xbf: {  	[dreg:$0x0] =	wrdreg $0xFFFFFFFF;
	(pc) =	sbr.abs _section_cstart, $3  }
0xc0: {  	[dreg:$0x1] =	wrdreg $0xFFFFFFFF  }
0xc1: {  	_ =	task.clear_ibuf [dreg:s6], $0x2FFFF;
	_ =	strace $0x9FFFFFFF  }
0xc2: {  	(tm) =	ssettm $0x7FFFFFFF  }
0xc3: {  	_ =	shalt  }
tec
execute0_lowered:
.L_overlay_start_1:
0x0: {  	(tag) =	ssettag $0x1  }
0x1: {  	s7 =	rddreg [dreg:$0x0]  }
0x2: {  	s0 =	srdreg.scid;
	s2 =	rddreg [dreg:$0x1]  }
0x3: {  	s3 =	simm.s32 $0x0;
	s14 =	simm.s32 $0x80;
	s15 =	simm.s32 $0x5000  }
0x4: {  	s16 =	simm.s32 $0x1;
	s6 =	sand.u32 $0x1, s0;
	s0 =	stileid.u32  }
0x5: {  	s17 =	simm.s32 $0x0;
	[smem:$0x7FF] =	sst s3;
	s8 =	smul.u32 $0x140000, s6  }
0x6: {  	s4 =	sadd.s32 $0x1AE00, s7;
	s1 =	sshll.u32 s6, $0x4;
	s9 =	smul.u32 $0x14000, s0  }
0x7: {  	s28 =	smul.u32 $0x50000, s0;
	s6 =	ssub.s32 $0x2, s6;
	s1 =	sor.u32 s0, s1  }
0x8: {  	s31 =	sshll.u32 s0, $0x6;
	s29 =	sshrl.u32 s6, $0x1;
	s5 =	smul.u32 $0x500, s1  }
0x9: {  	s1 =	rddreg [dreg:$0x2];
	_ =	strace $0x80000050;
	s8 =	sadd.s32 s9, s8  }
0xa: {  	s30 =	sshrl.u32 s28, $0x2;
	s12 =	ssub.s32 s6, s29;
	s6 =	sor.u32 $0x1C02, s31  }
0xb: {  	s8 =	sshrl.u32 s8, $0x3;
	s13 =	sadd.s32 s30, s2;
	s10 =	sadd.s32 s5, s7  }
0xc: {  	s5 =	sadd.s32 $0x18600, s7;
	s11 =	sadd.s32 s8, s7;
	s7 =	sadd.s32 $0x4600, s10  }
0xd: {  	s8 =	sadd.s32 $0xE600, s10;
	s9 =	sadd.s32 $0x42000, s11;
	s10 =	smax.u32 s12, $0x1  }
0xe: {  	s11 =	sshrl.u32 s13, $0x3;
	s12 =	simm.s32 $0x2;
	s13 =	simm.s32 $0x2800  }
.LBB2_1:
0xf: {  	[spmem:s11], [sflag:s6] =	dma.local [hbm:s5], $0x2800  }
0x10: {  	_ =	swait.ge [sflag:s12], $0x2800  }
0x11: {  	[sflag:s12] =	ssyncset.done $0x0  }
0x12: {  	[sflag:s12] =	ssyncadd.s32 $0xFFFFD800  }
0x13: {  	[tilespmem:s3], [sflag:$0x2] =	stream.linear.gather [hbm4b:s7+s3], $0x2780, $0x38;
	[tilespmem:$0x1D000] =	vst v63  }
0x14: {  	_ =	swait.ge [sflag:s12], $0x2780  }
0x15: {  	[sflag:s12] =	ssyncset.done $0x0  }
0x16: {  	[sflag:s12] =	ssyncadd.s32 $0xFFFFD880  }
0x17: {  	[tilespmem:s13], [sflag:$0x2] =	stream.linear.gather [hbm4b:s8+s3], $0x2780, $0x38;
	[tilespmem:$0x1D000] =	vst v63  }
0x18: {  	_ =	swait.ge [sflag:s12], $0x2780  }
0x19: {  	[sflag:s12] =	ssyncset.done $0x0  }
0x1a: {  	[sflag:s12] =	ssyncadd.s32 $0xFFFFD880  }
0x1b: {  	s18 =	simm.s32 $0x0;
	[bflag:$0x0] =	sbarrier.arrive $0xFFFF  }
0x1c: {  	[tilespmem:s15], [sflag:$0x1] =	stream.indirect.gather [hbm4b:s4+s14], $0x80, s18, s14, $0xb8;
	[tilespmem:$0x1D000] =	vst v63  }
0x1d: {  	_ =	swait.ge [sflag:s16], $0x4000  }
0x1e: {  	[sflag:s16] =	ssyncset.done $0x0  }
0x1f: {  	s31 =	simm.s32 $0x2800;
	[sflag:s16] =	ssyncadd.s32 $0xFFFFC000  }
0x20: {  	[spmem:s2] =	stream.indirect.scatter.add.f32 [tilespmem:s15], [sflag:$0x2], $0x80, s31, s14, $0xb8;
	[tilespmem:$0x1D000] =	vst v63  }
0x21: {  	_ =	swait.ge [sflag:s12], $0x4000  }
0x22: {  	s19 =	simm.s32 $0x400;
	s18 =	simm.s32 $0x200;
	[sflag:s12] =	ssyncset.done $0x0  }
.LBB2_2:
0x23: {  	s20 =	sshra.s32 s18, $0x2  }
0x24: {  	[sflag:s12] =	ssyncadd.s32 $0xFFFFC000;
	s18 =	smov.u32 s19;
	s21 =	sadd.s32 $0x200, s19  }
0x25: {  	[tilespmem:s15], [sflag:$0x1] =	stream.indirect.gather [hbm4b:s4+s14], $0x80, s20, s14, $0xb8;
	[tilespmem:$0x1D000] =	vst v63  }
0x26: {  	p0 =	sne.s32 s19, $0x9C00;
	_ =	swait.ge [sflag:s16], $0x4000  }
.Ltmp0:
0x27: {  	[sflag:s16] =	ssyncset.done $0x0;
	(pc) =	sbr.rel @p0 .LBB2_2-.Ltmp0, $4  }
0x28: {  	s19 =	sadd.s32 $0x2800, s20;
	[sflag:s16] =	ssyncadd.s32 $0xFFFFC000  }
0x29: {  	[spmem:s2] =	stream.indirect.scatter.add.f32 [tilespmem:s15], [sflag:$0x2], $0x80, s19, s14, $0xb8;
	[tilespmem:$0x1D000] =	vst v63  }
0x2a: {  	_ =	swait.ge [sflag:s12], $0x4000  }
0x2b: {  	s19 =	smov.u32 s21;
	[sflag:s12] =	ssyncset.done $0x0  }
0x2c: {  	s18 =	sshra.s32 s18, $0x2;
	[sflag:s12] =	ssyncadd.s32 $0xFFFFC000  }
0x2d: {  	[tilespmem:s15], [sflag:$0x1] =	stream.indirect.gather [hbm4b:s4+s14], $0x80, s18, s14, $0xb8;
	[tilespmem:$0x1D000] =	vst v63  }
0x2e: {  	_ =	swait.ge [sflag:s16], $0x4000  }
0x2f: {  	[sflag:s16] =	ssyncset.done $0x0  }
0x30: {  	s18 =	sadd.s32 $0x2800, s18;
	[sflag:s16] =	ssyncadd.s32 $0xFFFFC000  }
0x31: {  	[spmem:s2] =	stream.indirect.scatter.add.f32 [tilespmem:s15], [sflag:$0x2], $0x80, s18, s14, $0xb8;
	[tilespmem:$0x1D000] =	vst v63  }
0x32: {  	_ =	swait.ge [sflag:s12], $0x4000  }
0x33: {  	s17 =	sadd.s32 $0x1, s17;
	[sflag:s12] =	ssyncset.done $0x0  }
0x34: {  	p0 =	sne.s32 s17, s10;
	[sflag:s12] =	ssyncadd.s32 $0xFFFFC000  }
.Ltmp1:
0x35: {  	[bflag:$0x0] =	sbarrier.arrive $0xFFFF;
	(pc) =	sbr.rel @p0 .LBB2_1-.Ltmp1, $4  }
0x36: {  	[hbm:s9], [sflag:s6] =	dma.local [spmem:s11], $0x2800  }
0x37: {  	_ =	swait.ge [sflag:s12], $0x2800  }
0x38: {  	[sflag:s12] =	ssyncset.done $0x0  }
0x39: {  	[sflag:s12] =	ssyncadd.s32 $0xFFFFD800  }
0x3a: {  	_ =	sfence.sel $0x180000  }
0x3b: {  	[bflag:$0x0] =	sbarrier.arrive $0xFFFF  }
0x3c: {  	p0 =	sne.s32 s0, $0x0;
	_ =	strace $0x90000050  }
0x3d: {  	s0 =	sadd.s32 @!p0 $0x100000, s1;
	[bflag:$0x2] =	sbarrier.arrive $0xFFFF  }
0x3e: {  	[sflag:s0] =	ssyncadd.tile.s32 @!p0 $0x1;
	_ =	shalt  }
.Lfunc_end2:
_tile_overlayer_lowered:
.L_overlay_start_2:
0x3f: {  	(tag) =	ssettag $0x2  }
0x40: {  	s0 =	rddreg [dreg:$0x0];
	s2 =	stileid.u32  }
0x41: {  	s1 =	rddreg [dreg:$0x1];
	p0 =	sne.s32 s2, $0x0  }
0x42: {  	s3 =	rddreg [dreg:$0x2];
	[bflag:$0x3] =	sbarrier.arrive $0xFFFF;
	s2 =	simm.s32 @!p0 $0x1C02  }
0x43: {  	[timem:s3], [sflag:s2] =	dma.local @!p0 [hbm:s0], s1  }
0x44: {  	s0 =	simm.s32 @!p0 $0x2  }
0x45: {  	_ =	swait.ge @!p0 [sflag:s0], s1  }
0x46: {  	s1 =	ssub.s32 @!p0 $0x0, s1;
	[sflag:s0] =	ssyncset.done @!p0 $0x0  }
0x47: {  	[sflag:s0] =	ssyncadd.s32 @!p0 s1  }
0x48: {  	[bflag:$0x3] =	sbarrier.arrive $0xFFFF  }
0x49: {  	_ =	shalt  }

// kernel: kernel.24.cloned.1.call-start
scs
__scs_entry_jumppad:
0x0: {  	(pc) =	sbr.rel $0x88, $3  }
0x1: {  	(tag) =	ssettag $0x0;
	lr =	simm.s32 $0x1  }
0x2: {  	[smem:$0x3F96] =	sst lr;
	_ =	strace $0xD0000000  }
0x3: {  	_ = 	snop  }
0x4: {  	_ = 	snop  }
0x5: {  	_ = 	snop  }
0x6: {  	_ = 	snop  }
0x7: {  	_ = 	snop  }
__scs_overlays_trampoline_lowered:
0x8: {  	[smem:$0x3FA5] =	sst s0  }
0x9: {  	[smem:$0x3FA6] =	sst s1  }
0xa: {  	[smem:$0x3FA7] =	sst s2  }
0xb: {  	[smem:$0x3FA8] =	sst s3  }
0xc: {  	[smem:$0x3FA9] =	sst s4  }
0xd: {  	[smem:$0x3FAA] =	sst s5  }
0xe: {  	[smem:$0x3FAB] =	sst s6  }
0xf: {  	[smem:$0x3FAC] =	sst s7  }
0x10: {  	[smem:$0x3FAD] =	sst s8  }
0x11: {  	[smem:$0x3FAE] =	sst s9;
	s0 =	simm.s32 @!p0 $0x0  }
0x12: {  	s1 =	sld [smem:$0x3F94];
	s0 =	simm.s32 @p0 $0x1  }
0x13: {  	[smem:$0x3FAF] =	sst s0;
	s0 =	simm.s32 @!p1 $0x0  }
0x14: {  	s2 =	sld [smem:$0x3F93];
	s0 =	simm.s32 @p1 $0x1  }
0x15: {  	[smem:$0x3FB0] =	sst s0;
	s0 =	simm.s32 @!p2 $0x0  }
0x16: {  	s3 =	sld [smem:$0x3FDB];
	s0 =	simm.s32 @p2 $0x1  }
0x17: {  	s4 =	simm.s32 $0x1BF5;
	[smem:$0x3FB2] =	sst s0  }
0x18: {  	s0 =	sld [smem:$0x3F95];
	_ =	swait.ge [sflag:s4], $0x0  }
0x19: {  	s7 =	sld [smem:$0x3F96]  }
0x1a: {  	s8 =	sadd.s32 $0xFFFFE003, lr  }
0x1b: {  	s9 =	sadd.s32 $0xFFFFFEF7, lr;
	s5 =	simm.s32 $0xFFFFFFFF;
	p2 =	slt.u32 s8, $0xFFFFF086  }
0x1c: {  	p1 =	slt.u32 s9, $0xF7A;
	s5 =	simm.s32 @!p2 $0x0  }
0x1d: {  	s5 =	simm.s32 @p1 $0x1;
	p0 =	seq.s32 s7, s2  }
0x1e: {  	s7 =	smul.u32 @!p0 $0xF7A, s2;
	p2 =	seq.s32 @!p0 s5, $0x0  }
0x1f: {  	s9 =	smul.u32 $0xF7A, s1;
	s8 =	simm.s32 @!p0 $0x1BF5;
	p2 =	por !p2, p0  }
0x20: {  	[sflag:s8] =	ssyncset.s32 @!p0 $0xFFFFF086;
	s6 =	sadd.s32 @!p0 s3, s7;
	s7 =	simm.s32 @!p0 $0x108  }
0x21: {  	s3 =	sadd.s32 s3, s9;
	s6 =	sadd.s32 @!p0 $0x88, s6;
	s7 =	simm.s32 @p2 $0x1082  }
0x22: {  	[simem:s7], [sflag:s8] =	dma.local @!p0 [hbm:s6], $0xF7A  }
0x23: {  	s9 =	sor.u32 $0xD0000000, s2;
	s6 =	simm.s32 $0x108;
	_ =	swait.ge @!p0 [sflag:s8], $0x0  }
0x24: {  	s3 =	sadd.s32 $0x88, s3;
	s6 =	simm.s32 @!p1 $0x1082;
	[sflag:s4] =	ssyncset.s32 $0xFFFFF086  }
0x25: {  	[simem:s6], [sflag:s4] =	dma.local [hbm:s3], $0xF7A  }
0x26: {  	[smem:$0x3F96] =	sst s1;
	(tag) =	ssettag s2;
	_ =	strace s9  }
0x27: {  	s1 =	sld [smem:$0x3FA6]  }
0x28: {  	s2 =	sld [smem:$0x3FA7]  }
0x29: {  	s4 =	sld [smem:$0x3FA9]  }
0x2a: {  	p0 =	seq.s32 s5, $0x0;
	s5 =	sld [smem:$0x3FAA]  }
0x2b: {  	s6 =	sld [smem:$0x3FAB]  }
0x2c: {  	s7 =	sld [smem:$0x3FAC]  }
0x2d: {  	s3 =	simm.s32 $0x108;
	s8 =	sld [smem:$0x3FAD]  }
0x2e: {  	s3 =	simm.s32 @!p0 $0x1082;
	s9 =	sld [smem:$0x3FAE]  }
0x2f: {  	lr =	sadd.s32 s0, s3;
	s0 =	sld [smem:$0x3FA5]  }
0x30: {  	s3 =	sld [smem:$0x3FA8]  }
0x31: {  	[smem:$0x3FB1] =	sst s10  }
0x32: {  	s10 =	sld [smem:$0x3FAF];
	_ =	sdelay $0x3  }
0x33: {  	p0 =	seq.s32 s10, $0x1;
	s10 =	sld [smem:$0x3FB1];
	_ =	sdelay $0x3  }
0x34: {  	[smem:$0x3FB1] =	sst s10  }
0x35: {  	s10 =	sld [smem:$0x3FB0];
	_ =	sdelay $0x3  }
0x36: {  	p1 =	seq.s32 s10, $0x1;
	s10 =	sld [smem:$0x3FB1];
	_ =	sdelay $0x3  }
0x37: {  	[smem:$0x3FB1] =	sst s10  }
0x38: {  	s10 =	sld [smem:$0x3FB2]  }
0x39: {  	_ = 	snop;
	(pc) =	sbr.ind lr, $3  }
0x3a: {  	_ = 	snop  }
0x3b: {  	_ = 	snop  }
0x3c: {  	p2 =	seq.s32 s10, $0x1;
	s10 =	sld [smem:$0x3FB1]  }
0x3d: {  	_ =	shalt  }
0x3e: {  	_ =	shalt  }
0x3f: {  	_ =	shalt  }
0x40: {  	_ =	shalt  }
0x41: {  	_ =	shalt  }
0x42: {  	_ =	shalt  }
0x43: {  	_ =	shalt  }
0x44: {  	_ =	shalt  }
0x45: {  	_ =	shalt  }
0x46: {  	_ =	shalt  }
0x47: {  	_ =	shalt  }
0x48: {  	_ =	shalt  }
0x49: {  	_ =	shalt  }
0x4a: {  	_ =	shalt  }
0x4b: {  	_ =	shalt  }
0x4c: {  	_ =	shalt  }
0x4d: {  	_ =	shalt  }
0x4e: {  	_ =	shalt  }
0x4f: {  	_ =	shalt  }
0x50: {  	_ =	shalt  }
0x51: {  	_ =	shalt  }
0x52: {  	_ =	shalt  }
0x53: {  	_ =	shalt  }
0x54: {  	_ =	shalt  }
0x55: {  	_ =	shalt  }
0x56: {  	_ =	shalt  }
0x57: {  	_ =	shalt  }
0x58: {  	_ =	shalt  }
0x59: {  	_ =	shalt  }
0x5a: {  	_ =	shalt  }
0x5b: {  	_ =	shalt  }
0x5c: {  	_ =	shalt  }
0x5d: {  	_ =	shalt  }
0x5e: {  	_ =	shalt  }
0x5f: {  	_ =	shalt  }
0x60: {  	_ =	shalt  }
0x61: {  	_ =	shalt  }
0x62: {  	_ =	shalt  }
0x63: {  	_ =	shalt  }
0x64: {  	_ =	shalt  }
0x65: {  	_ =	shalt  }
0x66: {  	_ =	shalt  }
0x67: {  	_ =	shalt  }
0x68: {  	_ =	shalt  }
0x69: {  	_ =	shalt  }
0x6a: {  	_ =	shalt  }
0x6b: {  	_ =	shalt  }
0x6c: {  	_ =	shalt  }
0x6d: {  	_ =	shalt  }
0x6e: {  	_ =	shalt  }
0x6f: {  	_ =	shalt  }
0x70: {  	_ =	shalt  }
0x71: {  	_ =	shalt  }
0x72: {  	_ =	shalt  }
0x73: {  	_ =	shalt  }
0x74: {  	_ =	shalt  }
0x75: {  	_ =	shalt  }
0x76: {  	_ =	shalt  }
0x77: {  	_ =	shalt  }
0x78: {  	_ =	shalt  }
0x79: {  	_ =	shalt  }
0x7a: {  	_ =	shalt  }
0x7b: {  	_ =	shalt  }
0x7c: {  	_ =	shalt  }
0x7d: {  	_ =	shalt  }
0x7e: {  	_ =	shalt  }
0x7f: {  	_ =	shalt  }
0x80: {  	_ =	shalt  }
0x81: {  	_ =	shalt  }
0x82: {  	_ =	shalt  }
0x83: {  	_ =	shalt  }
0x84: {  	_ =	shalt  }
0x85: {  	_ =	shalt  }
0x86: {  	_ =	shalt  }
0x87: {  	_ =	shalt  }
.Lfunc_end0:
.L_simem_size_0:
called_computation.4_lowered:
.L_overlay_start_0:
0x88: {  	s2 =	sld [smem:$0x3FD9]  }
0x89: {  	s3 =	sld [smem:$0x3FFE];
	_ =	sdelay $0x1  }
0x8a: {  	s1 =	srdreg.scid  }
0x8b: {  	s0 =	sand.u32 $0x1, s1  }
0x8c: {  	s16 =	sshll.u32 s0, $0xA;
	s2 =	sadd.s32 s3, s2  }
0x8d: {  	s2 =	sadd.s32 s2, s16  }
0x8e: {  	[smem:$0x3FBD] =	sst s2  }
0x8f: {  	_ = 	snop  }
0x90: {  	(tm) =	ssettm $0x1  }
0x91: {  	s17 =	sld [smem:$0x3FFB];
	_ =	sdelay $0x3  }
0x92: {  	_ =	strace s17  }
0x93: {  	s2 =	sld [smem:$0x3FFC];
	_ =	sdelay $0x3  }
0x94: {  	_ =	strace s2  }
0x95: {  	s2 =	sld [smem:$0x3FFD];
	_ =	sdelay $0x3  }
0x96: {  	_ =	strace s2  }
0x97: {  	_ =	strace $0x8FFFFFFF  }
0x98: {  	s18 =	sld [smem:$0x3FDB];
	_ =	sdelay $0x1  }
0x99: {  	s19 =	simm.s32 $_scs_section_size  }
0x9a: {  	s4 =	simm.s32 $_size__tile_overlayer_lowered;
	s5 =	simm.s32 $_tile_overlayer_lowered  }
0x9b: {  	s22 =	simm.s32 $0x1BFF;
	s21 =	sshll.u32 s5, $0x1;
	s2 =	sadd.s32 s19, s18  }
0x9c: {  	s6 =	simm.s32 $0x0;
	s20 =	sshll.u32 s4, $0x1;
	s4 =	sadd.s32 s21, s2  }
0x9d: {  	[timem:s6], [sflag:s22] =	dma.local [hbm:s4], s20  }
0x9e: {  	_ =	swait.ge [sflag:s22], s20  }
0x9f: {  	s3 =	ssub.s32 $0x0, s20;
	[sflag:s22] =	ssyncset.done $0x0  }
0xa0: {  	[sflag:s22] =	ssyncadd.s32 s3;
	_ =	sdelay $0x1  }
0xa1: {  	s23 =	simm.s32 $0x1B8B  }
0xa2: {  	_ =	swait.ge [sflag:s23], $0x1  }
0xa3: {  	[sflag:s23] =	ssyncset.done $0x0  }
0xa4: {  	s25 =	simm.s32 $0x1B8E;
	s24 =	sld [smem:$0x3FFE];
	[sflag:s23] =	ssyncadd.s32 $0xFFFFFFFF  }
0xa5: {  	s26 =	simm.s32 $execute0_lowered;
	[smem:$0x3FD2] =	sst s25  }
0xa6: {  	s4 =	sshll.u32 s26, $0x1;
	_ =	strace $0x80000052;
	[dreg:$0x1] =	wrdreg $0xFFFFFFFF  }
0xa7: {  	s28 =	simm.s32 $_size_execute0_lowered;
	s2 =	sadd.s32 s2, s4;
	[dreg:$0x0] =	wrdreg $0x0  }
0xa8: {  	s4 =	sshll.u32 s28, $0x1;
	[dreg:$0x2] =	wrdreg s2  }
0xa9: {  	[dreg:$0x3] =	wrdreg s4  }
0xaa: {  	[dreg:$0x4] =	wrdreg $0xC0  }
0xab: {  	_ =	task [dreg:s6], $0x5FFFF  }
0xac: {  	[dreg:$0x1] =	wrdreg $0xFFFFFFFF  }
0xad: {  	[dreg:$0x0] =	wrdreg $0x60  }
0xae: {  	[dreg:$0x2] =	wrdreg s24  }
0xaf: {  	[dreg:$0x3] =	wrdreg $0x90000  }
0xb0: {  	[dreg:$0x4] =	wrdreg $0x9  }
0xb1: {  	_ =	task.clear_ibuf [dreg:s6], $0x5FFFF;
	_ =	strace $0x90000052  }
0xb2: {  	s29 =	simm.s32 $0x9;
	_ =	strace $0x80000054  }
0xb3: {  	_ =	swait.ge [sflag:s29], $0x1  }
0xb4: {  	[sflag:s29] =	ssyncadd.s32 $0xFFFFFFFF  }
0xb5: {  	_ =	strace $0x90000054  }
0xb6: {  	_ =	sfence  }
0xb7: {  	s30 =	sld [smem:$0x0];
	_ =	sdelay $0x2  }
0xb8: {  	s31 =	sshll.u32 s1, $0xD;
	s1 =	sshrl.u32 s1, $0x2  }
0xb9: {  	s3 =	sand.u32 $0x4000, s31;
	s1 =	sadd.s32 s1, s30  }
0xba: {  	s0 =	sor.u32 s3, s0;
	s1 =	sshll.u32 s1, $0x11  }
0xbb: {  	s0 =	sor.u32 s1, s0  }
0xbc: {  	s0 =	sadd.s32 $0x8F2B, s0  }
0xbd: {  	[sflag:s0] =	ssyncadd.remote.s32 $0x1  }
0xbe: {  	_ =	sfence.sel $0xFFFF  }
0xbf: {  	[dreg:$0x0] =	wrdreg $0xFFFFFFFF;
	(pc) =	sbr.abs _section_cstart, $3  }
0xc0: {  	[dreg:$0x1] =	wrdreg $0xFFFFFFFF  }
0xc1: {  	_ =	task.clear_ibuf [dreg:s6], $0x2FFFF;
	_ =	strace $0x9FFFFFFF  }
0xc2: {  	(tm) =	ssettm $0x7FFFFFFF  }
0xc3: {  	_ =	shalt  }
tec
execute0_lowered:
.L_overlay_start_1:
0x0: {  	(tag) =	ssettag $0x1  }
0x1: {  	s7 =	rddreg [dreg:$0x0]  }
0x2: {  	s0 =	srdreg.scid;
	s2 =	rddreg [dreg:$0x1]  }
0x3: {  	s3 =	simm.s32 $0x0;
	s14 =	simm.s32 $0x80;
	s15 =	simm.s32 $0x5000  }
0x4: {  	s16 =	simm.s32 $0x1;
	s6 =	sand.u32 $0x1, s0;
	s0 =	stileid.u32  }
0x5: {  	s17 =	simm.s32 $0x0;
	[smem:$0x7FF] =	sst s3;
	s8 =	smul.u32 $0x140000, s6  }
0x6: {  	s4 =	sadd.s32 $0x1AE00, s7;
	s1 =	sshll.u32 s6, $0x4;
	s9 =	smul.u32 $0x14000, s0  }
0x7: {  	s28 =	smul.u32 $0x50000, s0;
	s6 =	ssub.s32 $0x2, s6;
	s1 =	sor.u32 s0, s1  }
0x8: {  	s31 =	sshll.u32 s0, $0x6;
	s29 =	sshrl.u32 s6, $0x1;
	s5 =	smul.u32 $0x500, s1  }
0x9: {  	s1 =	rddreg [dreg:$0x2];
	_ =	strace $0x80000053;
	s8 =	sadd.s32 s9, s8  }
0xa: {  	s30 =	sshrl.u32 s28, $0x2;
	s12 =	ssub.s32 s6, s29;
	s6 =	sor.u32 $0x1C02, s31  }
0xb: {  	s8 =	sshrl.u32 s8, $0x3;
	s13 =	sadd.s32 s30, s2;
	s10 =	sadd.s32 s5, s7  }
0xc: {  	s5 =	sadd.s32 $0x18600, s7;
	s11 =	sadd.s32 s8, s7;
	s7 =	sadd.s32 $0x4600, s10  }
0xd: {  	s8 =	sadd.s32 $0xE600, s10;
	s9 =	sadd.s32 $0x42000, s11;
	s10 =	smax.u32 s12, $0x1  }
0xe: {  	s11 =	sshrl.u32 s13, $0x3;
	s12 =	simm.s32 $0x2;
	s13 =	simm.s32 $0x2800  }
.LBB2_1:
0xf: {  	[spmem:s11], [sflag:s6] =	dma.local [hbm:s5], $0x2800  }
0x10: {  	_ =	swait.ge [sflag:s12], $0x2800  }
0x11: {  	[sflag:s12] =	ssyncset.done $0x0  }
0x12: {  	[sflag:s12] =	ssyncadd.s32 $0xFFFFD800  }
0x13: {  	[tilespmem:s3], [sflag:$0x2] =	stream.linear.gather [hbm4b:s7+s3], $0x2780, $0x38;
	[tilespmem:$0x1D000] =	vst v63  }
0x14: {  	_ =	swait.ge [sflag:s12], $0x2780  }
0x15: {  	[sflag:s12] =	ssyncset.done $0x0  }
0x16: {  	[sflag:s12] =	ssyncadd.s32 $0xFFFFD880  }
0x17: {  	[tilespmem:s13], [sflag:$0x2] =	stream.linear.gather [hbm4b:s8+s3], $0x2780, $0x38;
	[tilespmem:$0x1D000] =	vst v63  }
0x18: {  	_ =	swait.ge [sflag:s12], $0x2780  }
0x19: {  	[sflag:s12] =	ssyncset.done $0x0  }
0x1a: {  	[sflag:s12] =	ssyncadd.s32 $0xFFFFD880  }
0x1b: {  	s18 =	simm.s32 $0x0;
	[bflag:$0x0] =	sbarrier.arrive $0xFFFF  }
0x1c: {  	[tilespmem:s15], [sflag:$0x1] =	stream.indirect.gather [hbm4b:s4+s14], $0x80, s18, s14, $0xb8;
	[tilespmem:$0x1D000] =	vst v63  }
0x1d: {  	_ =	swait.ge [sflag:s16], $0x4000  }
0x1e: {  	[sflag:s16] =	ssyncset.done $0x0  }
0x1f: {  	s31 =	simm.s32 $0x2800;
	[sflag:s16] =	ssyncadd.s32 $0xFFFFC000  }
0x20: {  	[spmem:s2] =	stream.indirect.scatter.add.f32 [tilespmem:s15], [sflag:$0x2], $0x80, s31, s14, $0xb8;
	[tilespmem:$0x1D000] =	vst v63  }
0x21: {  	_ =	swait.ge [sflag:s12], $0x4000  }
0x22: {  	s19 =	simm.s32 $0x400;
	s18 =	simm.s32 $0x200;
	[sflag:s12] =	ssyncset.done $0x0  }
.LBB2_2:
0x23: {  	s20 =	sshra.s32 s18, $0x2  }
0x24: {  	[sflag:s12] =	ssyncadd.s32 $0xFFFFC000;
	s18 =	smov.u32 s19;
	s21 =	sadd.s32 $0x200, s19  }
0x25: {  	[tilespmem:s15], [sflag:$0x1] =	stream.indirect.gather [hbm4b:s4+s14], $0x80, s20, s14, $0xb8;
	[tilespmem:$0x1D000] =	vst v63  }
0x26: {  	p0 =	sne.s32 s19, $0x9C00;
	_ =	swait.ge [sflag:s16], $0x4000  }
.Ltmp0:
0x27: {  	[sflag:s16] =	ssyncset.done $0x0;
	(pc) =	sbr.rel @p0 .LBB2_2-.Ltmp0, $4  }
0x28: {  	s19 =	sadd.s32 $0x2800, s20;
	[sflag:s16] =	ssyncadd.s32 $0xFFFFC000  }
0x29: {  	[spmem:s2] =	stream.indirect.scatter.add.f32 [tilespmem:s15], [sflag:$0x2], $0x80, s19, s14, $0xb8;
	[tilespmem:$0x1D000] =	vst v63  }
0x2a: {  	_ =	swait.ge [sflag:s12], $0x4000  }
0x2b: {  	s19 =	smov.u32 s21;
	[sflag:s12] =	ssyncset.done $0x0  }
0x2c: {  	s18 =	sshra.s32 s18, $0x2;
	[sflag:s12] =	ssyncadd.s32 $0xFFFFC000  }
0x2d: {  	[tilespmem:s15], [sflag:$0x1] =	stream.indirect.gather [hbm4b:s4+s14], $0x80, s18, s14, $0xb8;
	[tilespmem:$0x1D000] =	vst v63  }
0x2e: {  	_ =	swait.ge [sflag:s16], $0x4000  }
0x2f: {  	[sflag:s16] =	ssyncset.done $0x0  }
0x30: {  	s18 =	sadd.s32 $0x2800, s18;
	[sflag:s16] =	ssyncadd.s32 $0xFFFFC000  }
0x31: {  	[spmem:s2] =	stream.indirect.scatter.add.f32 [tilespmem:s15], [sflag:$0x2], $0x80, s18, s14, $0xb8;
	[tilespmem:$0x1D000] =	vst v63  }
0x32: {  	_ =	swait.ge [sflag:s12], $0x4000  }
0x33: {  	s17 =	sadd.s32 $0x1, s17;
	[sflag:s12] =	ssyncset.done $0x0  }
0x34: {  	p0 =	sne.s32 s17, s10;
	[sflag:s12] =	ssyncadd.s32 $0xFFFFC000  }
.Ltmp1:
0x35: {  	[bflag:$0x0] =	sbarrier.arrive $0xFFFF;
	(pc) =	sbr.rel @p0 .LBB2_1-.Ltmp1, $4  }
0x36: {  	[hbm:s9], [sflag:s6] =	dma.local [spmem:s11], $0x2800  }
0x37: {  	_ =	swait.ge [sflag:s12], $0x2800  }
0x38: {  	[sflag:s12] =	ssyncset.done $0x0  }
0x39: {  	[sflag:s12] =	ssyncadd.s32 $0xFFFFD800  }
0x3a: {  	_ =	sfence.sel $0x180000  }
0x3b: {  	[bflag:$0x0] =	sbarrier.arrive $0xFFFF  }
0x3c: {  	p0 =	sne.s32 s0, $0x0;
	_ =	strace $0x90000053  }
0x3d: {  	s0 =	sadd.s32 @!p0 $0x100000, s1;
	[bflag:$0x2] =	sbarrier.arrive $0xFFFF  }
0x3e: {  	[sflag:s0] =	ssyncadd.tile.s32 @!p0 $0x1;
	_ =	shalt  }
.Lfunc_end2:
_tile_overlayer_lowered:
.L_overlay_start_2:
0x3f: {  	(tag) =	ssettag $0x2  }
0x40: {  	s0 =	rddreg [dreg:$0x0];
	s2 =	stileid.u32  }
0x41: {  	s1 =	rddreg [dreg:$0x1];
	p0 =	sne.s32 s2, $0x0  }
0x42: {  	s3 =	rddreg [dreg:$0x2];
	[bflag:$0x3] =	sbarrier.arrive $0xFFFF;
	s2 =	simm.s32 @!p0 $0x1C02  }
0x43: {  	[timem:s3], [sflag:s2] =	dma.local @!p0 [hbm:s0], s1  }
0x44: {  	s0 =	simm.s32 @!p0 $0x2  }
0x45: {  	_ =	swait.ge @!p0 [sflag:s0], s1  }
0x46: {  	s1 =	ssub.s32 @!p0 $0x0, s1;
	[sflag:s0] =	ssyncset.done @!p0 $0x0  }
0x47: {  	[sflag:s0] =	ssyncadd.s32 @!p0 s1  }
0x48: {  	[bflag:$0x3] =	sbarrier.arrive $0xFFFF  }
0x49: {  	_ =	shalt  }

</sc_bundles>
